<compile_context>
chip_gen: v7x
topology: tpu7x:2x2x1
jax: 0.10.2.dev20260603
libtpu: 0.0.44.dev20260713+nightly
codegen_flags: <defaults>
</compile_context>

<pallas_src>
import functools

import jax
import jax.numpy as jnp
from jax import lax
from jax.experimental import pallas as pl
from jax.experimental.pallas import tpu as pltpu
from jax.experimental.pallas import tpu_sc as plsc

N = 10000
E = 320000
D = 128
H = 128
C = 64

NC = 2
NS = 16
NW = NC * NS
L = 16

CH = 64
CPT = 160
EP = NW * CPT * CH
NPAD = 10240
ZR = NPAD // NS


def _sc_aggregate(width: int, with_deg: bool):
    mesh = plsc.VectorSubcoreMesh(core_axis_name="c", subcore_axis_name="s",
                                  num_cores=NC, num_subcores=NS)
    out_type = [jax.ShapeDtypeStruct((NC, NPAD, width), jnp.float32)]
    if with_deg:
        out_type.append(jax.ShapeDtypeStruct((NW, NPAD), jnp.float32))
    scratch = [
        pltpu.VMEM((CPT, CH), jnp.int32),
        pltpu.VMEM((CPT, CH), jnp.int32),
        pltpu.VMEM((CH, width), jnp.float32),
        pltpu.VMEM((CH, width), jnp.float32),
        pltpu.VMEM_SHARED((NPAD, width), jnp.float32),
        pltpu.SemaphoreType.DMA,
        pltpu.SemaphoreType.DMA,
    ]
    if with_deg:
        scratch.append(pltpu.VMEM((NPAD,), jnp.float32))

    @functools.partial(
        pl.kernel,
        mesh=mesh,
        out_type=tuple(out_type),
        scratch_types=tuple(scratch),
        compiler_params=pltpu.CompilerParams(needs_layout_passes=False,
                                             use_tc_tiling_on_sc=False),
    )
    def sc_pass(*refs):
        if with_deg:
            (table, srcs, dsts, zrows,
             acc_out, deg_out,
             si, di, r0, r1, acc_sh, s0, s1, hist) = refs
        else:
            (table, srcs, dsts, zrows,
             acc_out,
             si, di, r0, r1, acc_sh, s0, s1) = refs

        cid = lax.axis_index("c")
        sid = lax.axis_index("s")
        wid = cid * NS + sid

        pltpu.sync_copy(zrows, acc_sh.at[pl.ds(sid * ZR, ZR)])
        if with_deg:
            z_l = jnp.zeros((L,), jnp.float32)

            def zstep(k, carry):
                hist[pl.ds(k * L, L)] = z_l
                return carry

            lax.fori_loop(0, NPAD // L, zstep, 0)
        pltpu.sync_copy(srcs.at[wid], si)
        pltpu.sync_copy(dsts.at[wid], di)
        plsc.subcore_barrier()

        rows = (r0, r1)
        sems = (s0, s1)
        ones_l = jnp.ones((L,), jnp.float32)

        for b in range(2):
            pltpu.async_copy(table.at[si.at[b]], rows[b], sems[b])

        def chunk_done_wait(b):
            pltpu.make_async_copy(table.at[si.at[0]], rows[b], sems[b]).wait()

        def process(c, b):
            pltpu.sync_copy(rows[b], acc_sh.at[di.at[c]], add=True)
            if with_deg:
                for j in range(CH // L):
                    v = di[c, pl.ds(j * L, L)]
                    plsc.addupdate_scatter(hist, [v], ones_l)

        def step(g, carry):
            j = 2 * g
            for b in range(2):
                c = j + b
                chunk_done_wait(b)
                process(c, b)
                pltpu.async_copy(table.at[si.at[c + 2]], rows[b], sems[b])
            return carry

        lax.fori_loop(0, CPT // 2 - 1, step, 0)

        for b in range(2):
            chunk_done_wait(b)
            process(CPT - 2 + b, b)

        plsc.subcore_barrier()

        sl = pl.ds(sid * ZR, ZR)
        pltpu.sync_copy(acc_sh.at[sl], acc_out.at[cid, sl])
        if with_deg:
            pltpu.sync_copy(hist, deg_out.at[wid])

    return sc_pass


BN = 512


def _deg_col(deg_blk):
    ones = jnp.ones((NW, 1), jnp.float32)
    return lax.dot_general(deg_blk, ones, (((0,), (0,)), ((), ())),
                           preferred_element_type=jnp.float32)


def _tc_mid(x, acc0, deg, W_self0, b0, W_neigh0, W_neigh1, W_self1, b1):

    def body(x_r, acc_r, deg_r, ws0_r, b0_r, wn0_r, wn1_r, ws1_r, b1_r,
             hn1_r, hs1_r):
        agg = acc_r[0] + acc_r[1]
        dinv = 1.0 / jnp.maximum(_deg_col(deg_r[...]), 1.0)
        hneigh = jnp.dot(agg * dinv, wn0_r[...],
                         preferred_element_type=jnp.float32)
        h = jnp.dot(x_r[...], ws0_r[...], preferred_element_type=jnp.float32)
        h = jnp.maximum(h + hneigh + b0_r[...], 0.0)
        hn1_r[...] = jnp.dot(h, wn1_r[...], preferred_element_type=jnp.float32)
        hs1_r[...] = jnp.dot(h, ws1_r[...],
                             preferred_element_type=jnp.float32) + b1_r[...]

    grid = (pl.cdiv(N, BN),)
    return pl.pallas_call(
        body,
        grid=grid,
        in_specs=[
            pl.BlockSpec((BN, D), lambda i: (i, 0)),
            pl.BlockSpec((2, BN, D), lambda i: (0, i, 0)),
            pl.BlockSpec((NW, BN), lambda i: (0, i)),
            pl.BlockSpec((D, H), lambda i: (0, 0)),
            pl.BlockSpec((1, H), lambda i: (0, 0)),
            pl.BlockSpec((D, H), lambda i: (0, 0)),
            pl.BlockSpec((H, C), lambda i: (0, 0)),
            pl.BlockSpec((H, C), lambda i: (0, 0)),
            pl.BlockSpec((1, C), lambda i: (0, 0)),
        ],
        out_specs=[
            pl.BlockSpec((BN, C), lambda i: (i, 0)),
            pl.BlockSpec((BN, C), lambda i: (i, 0)),
        ],
        out_shape=[
            jax.ShapeDtypeStruct((N, C), jnp.float32),
            jax.ShapeDtypeStruct((N, C), jnp.float32),
        ],
    )(x, acc0, deg, W_self0, b0.reshape(1, H), W_neigh0, W_neigh1, W_self1,
      b1.reshape(1, C))


def _tc_post(hs1, acc1, deg):

    def body(hs1_r, acc_r, deg_r, out_r):
        agg = acc_r[0] + acc_r[1]
        dinv = 1.0 / jnp.maximum(_deg_col(deg_r[...]), 1.0)
        out_r[...] = hs1_r[...] + agg * dinv

    grid = (pl.cdiv(N, BN),)
    return pl.pallas_call(
        body,
        grid=grid,
        in_specs=[
            pl.BlockSpec((BN, C), lambda i: (i, 0)),
            pl.BlockSpec((2, BN, C), lambda i: (0, i, 0)),
            pl.BlockSpec((NW, BN), lambda i: (0, i)),
        ],
        out_specs=pl.BlockSpec((BN, C), lambda i: (i, 0)),
        out_shape=jax.ShapeDtypeStruct((N, C), jnp.float32),
    )(hs1, acc1, deg)


def kernel(x, edge_index, W_self0, W_neigh0, b0, W_self1, W_neigh1, b1):
    src = edge_index[0]
    dst = edge_index[1]

    pad = EP - E
    src_p = jnp.concatenate([src, jnp.zeros((pad,), jnp.int32)]
                            ).reshape(NW, CPT, CH)
    dst_p = jnp.concatenate([dst, jnp.full((pad,), N, jnp.int32)]
                            ).reshape(NW, CPT, CH)

    zrows0 = jnp.zeros((ZR, D), jnp.float32)
    zrows1 = jnp.zeros((ZR, C), jnp.float32)

    acc0, deg = _sc_aggregate(D, True)(x, src_p, dst_p, zrows0)

    hn1, hs1 = _tc_mid(x, acc0, deg, W_self0, b0, W_neigh0, W_neigh1,
                       W_self1, b1)

    (acc1,) = _sc_aggregate(C, False)(hn1, src_p, dst_p, zrows1)

    return _tc_post(hs1, acc1, deg)

# --- scband reference (transcript-rebuilt; emitter-appended) ---
"""Pipeline reference for scband-sage-60361470378413 (READ-ONLY COPY).

The authoritative reference and input builder live on the scoring server;
editing this copy changes nothing except your own understanding.
"""

import jax, jax.numpy as jnp
import numpy as np

N = 10000
E = 320000
D = 128
H = 128
C = 64


def setup_inputs(seed: int = 0) -> dict:
    key = jax.random.key(seed)
    ks = jax.random.split(key, 9)
    x = jax.random.normal(ks[0], (N, D), dtype=jnp.float32)
    edge_index = jax.random.randint(ks[1], (2, E), 0, N, dtype=jnp.int32)
    # DGL SAGEConv ('mean') parameters: fc_self and fc_neigh per layer
    W_self0 = jax.random.normal(ks[2], (D, H), dtype=jnp.float32) * (1.0 / np.sqrt(D))
    W_neigh0 = jax.random.normal(ks[3], (D, H), dtype=jnp.float32) * (1.0 / np.sqrt(D))
    b0 = jnp.zeros((H,), dtype=jnp.float32)
    W_self1 = jax.random.normal(ks[4], (H, C), dtype=jnp.float32) * (1.0 / np.sqrt(H))
    W_neigh1 = jax.random.normal(ks[5], (H, C), dtype=jnp.float32) * (1.0 / np.sqrt(H))
    b1 = jnp.zeros((C,), dtype=jnp.float32)
    return {
        "x": x,
        "edge_index": edge_index,
        "W_self0": W_self0,
        "W_neigh0": W_neigh0,
        "b0": b0,
        "W_self1": W_self1,
        "W_neigh1": W_neigh1,
        "b1": b1,
    }


def _sage_layer(h, src, dst, W_self, W_neigh, b):
    # mean aggregation of source-node features onto destination nodes
    msg = jnp.take(h, src, axis=0)                      # gather [E, d]
    agg = jax.ops.segment_sum(msg, dst, num_segments=N)  # scatter-add [N, d]
    deg = jax.ops.segment_sum(jnp.ones((src.shape[0], 1), dtype=h.dtype), dst, num_segments=N)
    h_neigh = agg / jnp.clip(deg, 1.0, None)
    return h @ W_self + h_neigh @ W_neigh + b


def reference(x, edge_index, W_self0, W_neigh0, b0, W_self1, W_neigh1, b1):
    src = edge_index[0]
    dst = edge_index[1]
    # Layer 0 (SAGEConv mean) + relu activation; dropout is identity at inference
    h = _sage_layer(x, src, dst, W_self0, W_neigh0, b0)
    h = jax.nn.relu(h)
    # Final layer (no activation/dropout after last layer)
    h = _sage_layer(h, src, dst, W_self1, W_neigh1, b1)
    return h

if __name__ == "__main__":
    import jax
    _d = setup_inputs()
    print(jax.jit(kernel)(*tuple(_d.values())))

</pallas_src>

<mosaic_0001>
#map = affine_map<(d0, d1) -> (0, 0)>
#map1 = affine_map<(d0, d1) -> (0, 0, 0)>
module attributes {stable_mosaic.version = 14 : i64} {
  func.func @sc_pass(%arg0: i32, %arg1: i32, %arg2: memref<10000x64xf32, #tpu.memory_space<hbm>>, %arg3: memref<32x160x64xi32, #tpu.memory_space<hbm>>, %arg4: memref<32x160x64xi32, #tpu.memory_space<hbm>>, %arg5: memref<640x64xf32, #tpu.memory_space<hbm>>, %arg6: memref<2x10240x64xf32, #tpu.memory_space<hbm>>, %arg7: memref<160x64xi32, #tpu.memory_space<vmem>>, %arg8: memref<160x64xi32, #tpu.memory_space<vmem>>, %arg9: memref<64x64xf32, #tpu.memory_space<vmem>>, %arg10: memref<64x64xf32, #tpu.memory_space<vmem>>, %arg11: memref<10240x64xf32, #tpu.memory_space<vmem_shared>>, %arg12: memref<!tpu.dma_semaphore, #tpu.memory_space<semaphore_mem>>, %arg13: memref<!tpu.dma_semaphore, #tpu.memory_space<semaphore_mem>>) attributes {dimension_semantics = [#tpu.dimension_semantics<core_parallel>, #tpu.dimension_semantics<subcore_parallel>], iteration_bounds = array<i64: 2, 16>, scalar_prefetch = 0 : i64, scratch_operands = 7 : i64, tpu.core_type = #tpu.core_type<sc_vector_subcore>, window_params = [{transform_indices = #map}, {transform_indices = #map1}, {transform_indices = #map1}, {transform_indices = #map}, {transform_indices = #map1}]} {
    %mul3A = arith.constant 16 : i32
    %mul3A_0 = arith.muli %arg0, %mul3A : i32
    %add3A = arith.addi %mul3A_0, %arg1 : i32
    %mul3A_1 = arith.constant 640 : i32
    %mul3A_2 = arith.muli %arg1, %mul3A_1 : i32
    "tpu.region"() ({
      %run_scoped3A_39 = tpu.sem_alloc : memref<!tpu.dma_semaphore, #tpu.memory_space<semaphore_mem>>
      %dma_start3A_40 = arith.constant 0 : i32
      %dma_start3A_41 = tpu.memref_slice %arg11[%mul3A_2, %dma_start3A_40] : memref<10240x64xf32, #tpu.memory_space<vmem_shared>> -> memref<640x64xf32, #tpu.memory_space<vmem_shared>>
      tpu.enqueue_dma source(%arg5 : memref<640x64xf32, #tpu.memory_space<hbm>>) target(%dma_start3A_41 : memref<640x64xf32, #tpu.memory_space<vmem_shared>>) target_semaphore(%run_scoped3A_39 : memref<!tpu.dma_semaphore, #tpu.memory_space<semaphore_mem>>)
      %dma_wait3A_42 = arith.constant 0 : i32
      %dma_wait3A_43 = tpu.memref_slice %arg11[%mul3A_2, %dma_wait3A_42] : memref<10240x64xf32, #tpu.memory_space<vmem_shared>> -> memref<640x64xf32, #tpu.memory_space<vmem_shared>>
      tpu.wait_dma2 semaphore(%run_scoped3A_39 : memref<!tpu.dma_semaphore, #tpu.memory_space<semaphore_mem>>) src(%arg5 : memref<640x64xf32, #tpu.memory_space<hbm>>) dst(%dma_wait3A_43 : memref<640x64xf32, #tpu.memory_space<vmem_shared>>)
      tpu.yield
    }) : () -> ()
    "tpu.region"() ({
      %run_scoped3A_39 = tpu.sem_alloc : memref<!tpu.dma_semaphore, #tpu.memory_space<semaphore_mem>>
      %dma_start3A_40 = arith.constant 0 : i32
      %dma_start3A_41 = arith.constant 0 : i32
      %dma_start3A_42 = tpu.memref_slice %arg3[%add3A, %dma_start3A_40, %dma_start3A_41] : memref<32x160x64xi32, #tpu.memory_space<hbm>> -> memref<1x160x64xi32, #tpu.memory_space<hbm>>
      %dma_start3A_43 = tpu.memref_squeeze %dma_start3A_42 : memref<1x160x64xi32, #tpu.memory_space<hbm>> -> memref<160x64xi32, #tpu.memory_space<hbm>>
      %dma_start3A_44 = arith.constant 0 : i32
      %dma_start3A_45 = arith.constant 0 : i32
      %dma_start3A_46 = tpu.memref_slice %arg3[%add3A, %dma_start3A_44, %dma_start3A_45] : memref<32x160x64xi32, #tpu.memory_space<hbm>> -> memref<1x160x64xi32, #tpu.memory_space<hbm>>
      %dma_start3A_47 = tpu.memref_squeeze %dma_start3A_46 : memref<1x160x64xi32, #tpu.memory_space<hbm>> -> memref<160x64xi32, #tpu.memory_space<hbm>>
      tpu.enqueue_dma source(%dma_start3A_47 : memref<160x64xi32, #tpu.memory_space<hbm>>) target(%arg7 : memref<160x64xi32, #tpu.memory_space<vmem>>) target_semaphore(%run_scoped3A_39 : memref<!tpu.dma_semaphore, #tpu.memory_space<semaphore_mem>>)
      %dma_wait3A_48 = arith.constant 0 : i32
      %dma_wait3A_49 = arith.constant 0 : i32
      %dma_wait3A_50 = tpu.memref_slice %arg3[%add3A, %dma_wait3A_48, %dma_wait3A_49] : memref<32x160x64xi32, #tpu.memory_space<hbm>> -> memref<1x160x64xi32, #tpu.memory_space<hbm>>
      %dma_wait3A_51 = tpu.memref_squeeze %dma_wait3A_50 : memref<1x160x64xi32, #tpu.memory_space<hbm>> -> memref<160x64xi32, #tpu.memory_space<hbm>>
      %dma_wait3A_52 = arith.constant 0 : i32
      %dma_wait3A_53 = arith.constant 0 : i32
      %dma_wait3A_54 = tpu.memref_slice %arg3[%add3A, %dma_wait3A_52, %dma_wait3A_53] : memref<32x160x64xi32, #tpu.memory_space<hbm>> -> memref<1x160x64xi32, #tpu.memory_space<hbm>>
      %dma_wait3A_55 = tpu.memref_squeeze %dma_wait3A_54 : memref<1x160x64xi32, #tpu.memory_space<hbm>> -> memref<160x64xi32, #tpu.memory_space<hbm>>
      tpu.wait_dma2 semaphore(%run_scoped3A_39 : memref<!tpu.dma_semaphore, #tpu.memory_space<semaphore_mem>>) src(%dma_wait3A_55 : memref<160x64xi32, #tpu.memory_space<hbm>>) dst(%arg7 : memref<160x64xi32, #tpu.memory_space<vmem>>)
      tpu.yield
    }) : () -> ()
    "tpu.region"() ({
      %run_scoped3A_39 = tpu.sem_alloc : memref<!tpu.dma_semaphore, #tpu.memory_space<semaphore_mem>>
      %dma_start3A_40 = arith.constant 0 : i32
      %dma_start3A_41 = arith.constant 0 : i32
      %dma_start3A_42 = tpu.memref_slice %arg4[%add3A, %dma_start3A_40, %dma_start3A_41] : memref<32x160x64xi32, #tpu.memory_space<hbm>> -> memref<1x160x64xi32, #tpu.memory_space<hbm>>
      %dma_start3A_43 = tpu.memref_squeeze %dma_start3A_42 : memref<1x160x64xi32, #tpu.memory_space<hbm>> -> memref<160x64xi32, #tpu.memory_space<hbm>>
      %dma_start3A_44 = arith.constant 0 : i32
      %dma_start3A_45 = arith.constant 0 : i32
      %dma_start3A_46 = tpu.memref_slice %arg4[%add3A, %dma_start3A_44, %dma_start3A_45] : memref<32x160x64xi32, #tpu.memory_space<hbm>> -> memref<1x160x64xi32, #tpu.memory_space<hbm>>
      %dma_start3A_47 = tpu.memref_squeeze %dma_start3A_46 : memref<1x160x64xi32, #tpu.memory_space<hbm>> -> memref<160x64xi32, #tpu.memory_space<hbm>>
      tpu.enqueue_dma source(%dma_start3A_47 : memref<160x64xi32, #tpu.memory_space<hbm>>) target(%arg8 : memref<160x64xi32, #tpu.memory_space<vmem>>) target_semaphore(%run_scoped3A_39 : memref<!tpu.dma_semaphore, #tpu.memory_space<semaphore_mem>>)
      %dma_wait3A_48 = arith.constant 0 : i32
      %dma_wait3A_49 = arith.constant 0 : i32
      %dma_wait3A_50 = tpu.memref_slice %arg4[%add3A, %dma_wait3A_48, %dma_wait3A_49] : memref<32x160x64xi32, #tpu.memory_space<hbm>> -> memref<1x160x64xi32, #tpu.memory_space<hbm>>
      %dma_wait3A_51 = tpu.memref_squeeze %dma_wait3A_50 : memref<1x160x64xi32, #tpu.memory_space<hbm>> -> memref<160x64xi32, #tpu.memory_space<hbm>>
      %dma_wait3A_52 = arith.constant 0 : i32
      %dma_wait3A_53 = arith.constant 0 : i32
      %dma_wait3A_54 = tpu.memref_slice %arg4[%add3A, %dma_wait3A_52, %dma_wait3A_53] : memref<32x160x64xi32, #tpu.memory_space<hbm>> -> memref<1x160x64xi32, #tpu.memory_space<hbm>>
      %dma_wait3A_55 = tpu.memref_squeeze %dma_wait3A_54 : memref<1x160x64xi32, #tpu.memory_space<hbm>> -> memref<160x64xi32, #tpu.memory_space<hbm>>
      tpu.wait_dma2 semaphore(%run_scoped3A_39 : memref<!tpu.dma_semaphore, #tpu.memory_space<semaphore_mem>>) src(%dma_wait3A_55 : memref<160x64xi32, #tpu.memory_space<hbm>>) dst(%arg8 : memref<160x64xi32, #tpu.memory_space<vmem>>)
      tpu.yield
    }) : () -> ()
    %barrier3A = arith.constant 0 : index
    tpu.barrier barrier_id(%barrier3A)
    %broadcast_in_dim3A = arith.constant 1.000000e+00 : f32
    %broadcast_in_dim3A_3 = vector.broadcast %broadcast_in_dim3A : f32 to vector<16xf32>
    %dma_start3A = arith.constant 0 : i32
    %dma_start3A_4 = arith.constant 0 : i32
    %dma_start3A_5 = tpu.memref_slice %arg7[%dma_start3A, %dma_start3A_4] : memref<160x64xi32, #tpu.memory_space<vmem>> -> memref<1x64xi32, #tpu.memory_space<vmem>>
    %dma_start3A_6 = tpu.memref_squeeze %dma_start3A_5 : memref<1x64xi32, #tpu.memory_space<vmem>> -> memref<64xi32, #tpu.memory_space<vmem>>
    %dma_start3A_7 = arith.constant 0 : i32
    %dma_start3A_8 = arith.constant 0 : i32
    %dma_start3A_9 = tpu.memref_slice %arg2[%dma_start3A_7, %dma_start3A_8] : memref<10000x64xf32, #tpu.memory_space<hbm>> -> memref<10000x64xf32, #tpu.memory_space<hbm>>
    tpu.enqueue_indirect_dma source(%dma_start3A_9 : memref<10000x64xf32, #tpu.memory_space<hbm>>) target(%arg9 : memref<64x64xf32, #tpu.memory_space<vmem>>) offsets(%dma_start3A_6 : memref<64xi32, #tpu.memory_space<vmem>>) semaphore(%arg12 : memref<!tpu.dma_semaphore, #tpu.memory_space<semaphore_mem>>)
    %dma_start3A_10 = arith.constant 1 : i32
    %dma_start3A_11 = arith.constant 0 : i32
    %dma_start3A_12 = tpu.memref_slice %arg7[%dma_start3A_10, %dma_start3A_11] : memref<160x64xi32, #tpu.memory_space<vmem>> -> memref<1x64xi32, #tpu.memory_space<vmem>>
    %dma_start3A_13 = tpu.memref_squeeze %dma_start3A_12 : memref<1x64xi32, #tpu.memory_space<vmem>> -> memref<64xi32, #tpu.memory_space<vmem>>
    %dma_start3A_14 = arith.constant 0 : i32
    %dma_start3A_15 = arith.constant 0 : i32
    %dma_start3A_16 = tpu.memref_slice %arg2[%dma_start3A_14, %dma_start3A_15] : memref<10000x64xf32, #tpu.memory_space<hbm>> -> memref<10000x64xf32, #tpu.memory_space<hbm>>
    tpu.enqueue_indirect_dma source(%dma_start3A_16 : memref<10000x64xf32, #tpu.memory_space<hbm>>) target(%arg10 : memref<64x64xf32, #tpu.memory_space<vmem>>) offsets(%dma_start3A_13 : memref<64xi32, #tpu.memory_space<vmem>>) semaphore(%arg13 : memref<!tpu.dma_semaphore, #tpu.memory_space<semaphore_mem>>)
    %scan3A = arith.constant 0 : i32
    %scan3A_17 = arith.constant 0 : i32
    %scan3A_18 = arith.constant 79 : i32
    %scan3A_19 = arith.addi %scan3A_17, %scan3A_18 : i32
    %scan3A_20 = arith.constant 1 : i32
    scf.for %scan3A_39 = %scan3A_17 to %scan3A_19 step %scan3A_20  : i32 {
      %mul3A_40 = arith.constant 2 : i32
      %mul3A_41 = arith.muli %mul3A_40, %scan3A_39 : i32
      %add3A_42 = arith.constant 0 : i32
      %add3A_43 = arith.addi %mul3A_41, %add3A_42 : i32
      %dma_wait3A_44 = arith.constant 0 : i32
      %dma_wait3A_45 = arith.constant 0 : i32
      %dma_wait3A_46 = tpu.memref_slice %arg7[%dma_wait3A_44, %dma_wait3A_45] : memref<160x64xi32, #tpu.memory_space<vmem>> -> memref<1x64xi32, #tpu.memory_space<vmem>>
      %dma_wait3A_47 = tpu.memref_squeeze %dma_wait3A_46 : memref<1x64xi32, #tpu.memory_space<vmem>> -> memref<64xi32, #tpu.memory_space<vmem>>
      %dma_wait3A_48 = arith.constant 0 : i32
      %dma_wait3A_49 = arith.constant 0 : i32
      %dma_wait3A_50 = tpu.memref_slice %arg2[%dma_wait3A_48, %dma_wait3A_49] : memref<10000x64xf32, #tpu.memory_space<hbm>> -> memref<10000x64xf32, #tpu.memory_space<hbm>>
      tpu.wait_indirect_dma semaphore(%arg12 : memref<!tpu.dma_semaphore, #tpu.memory_space<semaphore_mem>>) src(%dma_wait3A_50 : memref<10000x64xf32, #tpu.memory_space<hbm>>) dst(%arg9 : memref<64x64xf32, #tpu.memory_space<vmem>>)
      "tpu.region"() ({
        %run_scoped3A_76 = tpu.sem_alloc : memref<!tpu.dma_semaphore, #tpu.memory_space<semaphore_mem>>
        %dma_start3A_77 = arith.constant 0 : i32
        %dma_start3A_78 = tpu.memref_slice %arg8[%add3A_43, %dma_start3A_77] : memref<160x64xi32, #tpu.memory_space<vmem>> -> memref<1x64xi32, #tpu.memory_space<vmem>>
        %dma_start3A_79 = tpu.memref_squeeze %dma_start3A_78 : memref<1x64xi32, #tpu.memory_space<vmem>> -> memref<64xi32, #tpu.memory_space<vmem>>
        %dma_start3A_80 = arith.constant 0 : i32
        %dma_start3A_81 = arith.constant 0 : i32
        %dma_start3A_82 = tpu.memref_slice %arg11[%dma_start3A_80, %dma_start3A_81] : memref<10240x64xf32, #tpu.memory_space<vmem_shared>> -> memref<10240x64xf32, #tpu.memory_space<vmem_shared>>
        tpu.enqueue_indirect_dma source(%arg9 : memref<64x64xf32, #tpu.memory_space<vmem>>) target(%dma_start3A_82 : memref<10240x64xf32, #tpu.memory_space<vmem_shared>>) offsets(%dma_start3A_79 : memref<64xi32, #tpu.memory_space<vmem>>) semaphore(%run_scoped3A_76 : memref<!tpu.dma_semaphore, #tpu.memory_space<semaphore_mem>>) {add = true}
        %dma_wait3A_83 = arith.constant 0 : i32
        %dma_wait3A_84 = tpu.memref_slice %arg8[%add3A_43, %dma_wait3A_83] : memref<160x64xi32, #tpu.memory_space<vmem>> -> memref<1x64xi32, #tpu.memory_space<vmem>>
        %dma_wait3A_85 = tpu.memref_squeeze %dma_wait3A_84 : memref<1x64xi32, #tpu.memory_space<vmem>> -> memref<64xi32, #tpu.memory_space<vmem>>
        %dma_wait3A_86 = arith.constant 0 : i32
        %dma_wait3A_87 = arith.constant 0 : i32
        %dma_wait3A_88 = tpu.memref_slice %arg11[%dma_wait3A_86, %dma_wait3A_87] : memref<10240x64xf32, #tpu.memory_space<vmem_shared>> -> memref<10240x64xf32, #tpu.memory_space<vmem_shared>>
        tpu.wait_indirect_dma semaphore(%run_scoped3A_76 : memref<!tpu.dma_semaphore, #tpu.memory_space<semaphore_mem>>) src(%arg9 : memref<64x64xf32, #tpu.memory_space<vmem>>) dst(%dma_wait3A_88 : memref<10240x64xf32, #tpu.memory_space<vmem_shared>>)
        tpu.yield
      }) : () -> ()
      %add3A_51 = arith.constant 2 : i32
      %add3A_52 = arith.addi %add3A_43, %add3A_51 : i32
      %dma_start3A_53 = arith.constant 0 : i32
      %dma_start3A_54 = tpu.memref_slice %arg7[%add3A_52, %dma_start3A_53] : memref<160x64xi32, #tpu.memory_space<vmem>> -> memref<1x64xi32, #tpu.memory_space<vmem>>
      %dma_start3A_55 = tpu.memref_squeeze %dma_start3A_54 : memref<1x64xi32, #tpu.memory_space<vmem>> -> memref<64xi32, #tpu.memory_space<vmem>>
      %dma_start3A_56 = arith.constant 0 : i32
      %dma_start3A_57 = arith.constant 0 : i32
      %dma_start3A_58 = tpu.memref_slice %arg2[%dma_start3A_56, %dma_start3A_57] : memref<10000x64xf32, #tpu.memory_space<hbm>> -> memref<10000x64xf32, #tpu.memory_space<hbm>>
      tpu.enqueue_indirect_dma source(%dma_start3A_58 : memref<10000x64xf32, #tpu.memory_space<hbm>>) target(%arg9 : memref<64x64xf32, #tpu.memory_space<vmem>>) offsets(%dma_start3A_55 : memref<64xi32, #tpu.memory_space<vmem>>) semaphore(%arg12 : memref<!tpu.dma_semaphore, #tpu.memory_space<semaphore_mem>>)
      %add3A_59 = arith.constant 1 : i32
      %add3A_60 = arith.addi %mul3A_41, %add3A_59 : i32
      %dma_wait3A_61 = arith.constant 0 : i32
      %dma_wait3A_62 = arith.constant 0 : i32
      %dma_wait3A_63 = tpu.memref_slice %arg7[%dma_wait3A_61, %dma_wait3A_62] : memref<160x64xi32, #tpu.memory_space<vmem>> -> memref<1x64xi32, #tpu.memory_space<vmem>>
      %dma_wait3A_64 = tpu.memref_squeeze %dma_wait3A_63 : memref<1x64xi32, #tpu.memory_space<vmem>> -> memref<64xi32, #tpu.memory_space<vmem>>
      %dma_wait3A_65 = arith.constant 0 : i32
      %dma_wait3A_66 = arith.constant 0 : i32
      %dma_wait3A_67 = tpu.memref_slice %arg2[%dma_wait3A_65, %dma_wait3A_66] : memref<10000x64xf32, #tpu.memory_space<hbm>> -> memref<10000x64xf32, #tpu.memory_space<hbm>>
      tpu.wait_indirect_dma semaphore(%arg13 : memref<!tpu.dma_semaphore, #tpu.memory_space<semaphore_mem>>) src(%dma_wait3A_67 : memref<10000x64xf32, #tpu.memory_space<hbm>>) dst(%arg10 : memref<64x64xf32, #tpu.memory_space<vmem>>)
      "tpu.region"() ({
        %run_scoped3A_76 = tpu.sem_alloc : memref<!tpu.dma_semaphore, #tpu.memory_space<semaphore_mem>>
        %dma_start3A_77 = arith.constant 0 : i32
        %dma_start3A_78 = tpu.memref_slice %arg8[%add3A_60, %dma_start3A_77] : memref<160x64xi32, #tpu.memory_space<vmem>> -> memref<1x64xi32, #tpu.memory_space<vmem>>
        %dma_start3A_79 = tpu.memref_squeeze %dma_start3A_78 : memref<1x64xi32, #tpu.memory_space<vmem>> -> memref<64xi32, #tpu.memory_space<vmem>>
        %dma_start3A_80 = arith.constant 0 : i32
        %dma_start3A_81 = arith.constant 0 : i32
        %dma_start3A_82 = tpu.memref_slice %arg11[%dma_start3A_80, %dma_start3A_81] : memref<10240x64xf32, #tpu.memory_space<vmem_shared>> -> memref<10240x64xf32, #tpu.memory_space<vmem_shared>>
        tpu.enqueue_indirect_dma source(%arg10 : memref<64x64xf32, #tpu.memory_space<vmem>>) target(%dma_start3A_82 : memref<10240x64xf32, #tpu.memory_space<vmem_shared>>) offsets(%dma_start3A_79 : memref<64xi32, #tpu.memory_space<vmem>>) semaphore(%run_scoped3A_76 : memref<!tpu.dma_semaphore, #tpu.memory_space<semaphore_mem>>) {add = true}
        %dma_wait3A_83 = arith.constant 0 : i32
        %dma_wait3A_84 = tpu.memref_slice %arg8[%add3A_60, %dma_wait3A_83] : memref<160x64xi32, #tpu.memory_space<vmem>> -> memref<1x64xi32, #tpu.memory_space<vmem>>
        %dma_wait3A_85 = tpu.memref_squeeze %dma_wait3A_84 : memref<1x64xi32, #tpu.memory_space<vmem>> -> memref<64xi32, #tpu.memory_space<vmem>>
        %dma_wait3A_86 = arith.constant 0 : i32
        %dma_wait3A_87 = arith.constant 0 : i32
        %dma_wait3A_88 = tpu.memref_slice %arg11[%dma_wait3A_86, %dma_wait3A_87] : memref<10240x64xf32, #tpu.memory_space<vmem_shared>> -> memref<10240x64xf32, #tpu.memory_space<vmem_shared>>
        tpu.wait_indirect_dma semaphore(%run_scoped3A_76 : memref<!tpu.dma_semaphore, #tpu.memory_space<semaphore_mem>>) src(%arg10 : memref<64x64xf32, #tpu.memory_space<vmem>>) dst(%dma_wait3A_88 : memref<10240x64xf32, #tpu.memory_space<vmem_shared>>)
        tpu.yield
      }) : () -> ()
      %add3A_68 = arith.constant 2 : i32
      %add3A_69 = arith.addi %add3A_60, %add3A_68 : i32
      %dma_start3A_70 = arith.constant 0 : i32
      %dma_start3A_71 = tpu.memref_slice %arg7[%add3A_69, %dma_start3A_70] : memref<160x64xi32, #tpu.memory_space<vmem>> -> memref<1x64xi32, #tpu.memory_space<vmem>>
      %dma_start3A_72 = tpu.memref_squeeze %dma_start3A_71 : memref<1x64xi32, #tpu.memory_space<vmem>> -> memref<64xi32, #tpu.memory_space<vmem>>
      %dma_start3A_73 = arith.constant 0 : i32
      %dma_start3A_74 = arith.constant 0 : i32
      %dma_start3A_75 = tpu.memref_slice %arg2[%dma_start3A_73, %dma_start3A_74] : memref<10000x64xf32, #tpu.memory_space<hbm>> -> memref<10000x64xf32, #tpu.memory_space<hbm>>
      tpu.enqueue_indirect_dma source(%dma_start3A_75 : memref<10000x64xf32, #tpu.memory_space<hbm>>) target(%arg10 : memref<64x64xf32, #tpu.memory_space<vmem>>) offsets(%dma_start3A_72 : memref<64xi32, #tpu.memory_space<vmem>>) semaphore(%arg13 : memref<!tpu.dma_semaphore, #tpu.memory_space<semaphore_mem>>)
    }
    %scan3A_21 = arith.constant 79 : i32
    %dma_wait3A = arith.constant 0 : i32
    %dma_wait3A_22 = arith.constant 0 : i32
    %dma_wait3A_23 = tpu.memref_slice %arg7[%dma_wait3A, %dma_wait3A_22] : memref<160x64xi32, #tpu.memory_space<vmem>> -> memref<1x64xi32, #tpu.memory_space<vmem>>
    %dma_wait3A_24 = tpu.memref_squeeze %dma_wait3A_23 : memref<1x64xi32, #tpu.memory_space<vmem>> -> memref<64xi32, #tpu.memory_space<vmem>>
    %dma_wait3A_25 = arith.constant 0 : i32
    %dma_wait3A_26 = arith.constant 0 : i32
    %dma_wait3A_27 = tpu.memref_slice %arg2[%dma_wait3A_25, %dma_wait3A_26] : memref<10000x64xf32, #tpu.memory_space<hbm>> -> memref<10000x64xf32, #tpu.memory_space<hbm>>
    tpu.wait_indirect_dma semaphore(%arg12 : memref<!tpu.dma_semaphore, #tpu.memory_space<semaphore_mem>>) src(%dma_wait3A_27 : memref<10000x64xf32, #tpu.memory_space<hbm>>) dst(%arg9 : memref<64x64xf32, #tpu.memory_space<vmem>>)
    %run_scoped3A = arith.constant 158 : i32
    "tpu.region"() ({
      %run_scoped3A_39 = tpu.sem_alloc : memref<!tpu.dma_semaphore, #tpu.memory_space<semaphore_mem>>
      %dma_start3A_40 = arith.constant 0 : i32
      %dma_start3A_41 = tpu.memref_slice %arg8[%run_scoped3A, %dma_start3A_40] : memref<160x64xi32, #tpu.memory_space<vmem>> -> memref<1x64xi32, #tpu.memory_space<vmem>>
      %dma_start3A_42 = tpu.memref_squeeze %dma_start3A_41 : memref<1x64xi32, #tpu.memory_space<vmem>> -> memref<64xi32, #tpu.memory_space<vmem>>
      %dma_start3A_43 = arith.constant 0 : i32
      %dma_start3A_44 = arith.constant 0 : i32
      %dma_start3A_45 = tpu.memref_slice %arg11[%dma_start3A_43, %dma_start3A_44] : memref<10240x64xf32, #tpu.memory_space<vmem_shared>> -> memref<10240x64xf32, #tpu.memory_space<vmem_shared>>
      tpu.enqueue_indirect_dma source(%arg9 : memref<64x64xf32, #tpu.memory_space<vmem>>) target(%dma_start3A_45 : memref<10240x64xf32, #tpu.memory_space<vmem_shared>>) offsets(%dma_start3A_42 : memref<64xi32, #tpu.memory_space<vmem>>) semaphore(%run_scoped3A_39 : memref<!tpu.dma_semaphore, #tpu.memory_space<semaphore_mem>>) {add = true}
      %dma_wait3A_46 = arith.constant 0 : i32
      %dma_wait3A_47 = tpu.memref_slice %arg8[%run_scoped3A, %dma_wait3A_46] : memref<160x64xi32, #tpu.memory_space<vmem>> -> memref<1x64xi32, #tpu.memory_space<vmem>>
      %dma_wait3A_48 = tpu.memref_squeeze %dma_wait3A_47 : memref<1x64xi32, #tpu.memory_space<vmem>> -> memref<64xi32, #tpu.memory_space<vmem>>
      %dma_wait3A_49 = arith.constant 0 : i32
      %dma_wait3A_50 = arith.constant 0 : i32
      %dma_wait3A_51 = tpu.memref_slice %arg11[%dma_wait3A_49, %dma_wait3A_50] : memref<10240x64xf32, #tpu.memory_space<vmem_shared>> -> memref<10240x64xf32, #tpu.memory_space<vmem_shared>>
      tpu.wait_indirect_dma semaphore(%run_scoped3A_39 : memref<!tpu.dma_semaphore, #tpu.memory_space<semaphore_mem>>) src(%arg9 : memref<64x64xf32, #tpu.memory_space<vmem>>) dst(%dma_wait3A_51 : memref<10240x64xf32, #tpu.memory_space<vmem_shared>>)
      tpu.yield
    }) : () -> ()
    %dma_wait3A_28 = arith.constant 0 : i32
    %dma_wait3A_29 = arith.constant 0 : i32
    %dma_wait3A_30 = tpu.memref_slice %arg7[%dma_wait3A_28, %dma_wait3A_29] : memref<160x64xi32, #tpu.memory_space<vmem>> -> memref<1x64xi32, #tpu.memory_space<vmem>>
    %dma_wait3A_31 = tpu.memref_squeeze %dma_wait3A_30 : memref<1x64xi32, #tpu.memory_space<vmem>> -> memref<64xi32, #tpu.memory_space<vmem>>
    %dma_wait3A_32 = arith.constant 0 : i32
    %dma_wait3A_33 = arith.constant 0 : i32
    %dma_wait3A_34 = tpu.memref_slice %arg2[%dma_wait3A_32, %dma_wait3A_33] : memref<10000x64xf32, #tpu.memory_space<hbm>> -> memref<10000x64xf32, #tpu.memory_space<hbm>>
    tpu.wait_indirect_dma semaphore(%arg13 : memref<!tpu.dma_semaphore, #tpu.memory_space<semaphore_mem>>) src(%dma_wait3A_34 : memref<10000x64xf32, #tpu.memory_space<hbm>>) dst(%arg10 : memref<64x64xf32, #tpu.memory_space<vmem>>)
    %run_scoped3A_35 = arith.constant 159 : i32
    "tpu.region"() ({
      %run_scoped3A_39 = tpu.sem_alloc : memref<!tpu.dma_semaphore, #tpu.memory_space<semaphore_mem>>
      %dma_start3A_40 = arith.constant 0 : i32
      %dma_start3A_41 = tpu.memref_slice %arg8[%run_scoped3A_35, %dma_start3A_40] : memref<160x64xi32, #tpu.memory_space<vmem>> -> memref<1x64xi32, #tpu.memory_space<vmem>>
      %dma_start3A_42 = tpu.memref_squeeze %dma_start3A_41 : memref<1x64xi32, #tpu.memory_space<vmem>> -> memref<64xi32, #tpu.memory_space<vmem>>
      %dma_start3A_43 = arith.constant 0 : i32
      %dma_start3A_44 = arith.constant 0 : i32
      %dma_start3A_45 = tpu.memref_slice %arg11[%dma_start3A_43, %dma_start3A_44] : memref<10240x64xf32, #tpu.memory_space<vmem_shared>> -> memref<10240x64xf32, #tpu.memory_space<vmem_shared>>
      tpu.enqueue_indirect_dma source(%arg10 : memref<64x64xf32, #tpu.memory_space<vmem>>) target(%dma_start3A_45 : memref<10240x64xf32, #tpu.memory_space<vmem_shared>>) offsets(%dma_start3A_42 : memref<64xi32, #tpu.memory_space<vmem>>) semaphore(%run_scoped3A_39 : memref<!tpu.dma_semaphore, #tpu.memory_space<semaphore_mem>>) {add = true}
      %dma_wait3A_46 = arith.constant 0 : i32
      %dma_wait3A_47 = tpu.memref_slice %arg8[%run_scoped3A_35, %dma_wait3A_46] : memref<160x64xi32, #tpu.memory_space<vmem>> -> memref<1x64xi32, #tpu.memory_space<vmem>>
      %dma_wait3A_48 = tpu.memref_squeeze %dma_wait3A_47 : memref<1x64xi32, #tpu.memory_space<vmem>> -> memref<64xi32, #tpu.memory_space<vmem>>
      %dma_wait3A_49 = arith.constant 0 : i32
      %dma_wait3A_50 = arith.constant 0 : i32
      %dma_wait3A_51 = tpu.memref_slice %arg11[%dma_wait3A_49, %dma_wait3A_50] : memref<10240x64xf32, #tpu.memory_space<vmem_shared>> -> memref<10240x64xf32, #tpu.memory_space<vmem_shared>>
      tpu.wait_indirect_dma semaphore(%run_scoped3A_39 : memref<!tpu.dma_semaphore, #tpu.memory_space<semaphore_mem>>) src(%arg10 : memref<64x64xf32, #tpu.memory_space<vmem>>) dst(%dma_wait3A_51 : memref<10240x64xf32, #tpu.memory_space<vmem_shared>>)
      tpu.yield
    }) : () -> ()
    %barrier3A_36 = arith.constant 0 : index
    tpu.barrier barrier_id(%barrier3A_36)
    %mul3A_37 = arith.constant 640 : i32
    %mul3A_38 = arith.muli %arg1, %mul3A_37 : i32
    "tpu.region"() ({
      %run_scoped3A_39 = tpu.sem_alloc : memref<!tpu.dma_semaphore, #tpu.memory_space<semaphore_mem>>
      %dma_start3A_40 = arith.constant 0 : i32
      %dma_start3A_41 = tpu.memref_slice %arg6[%arg0, %mul3A_38, %dma_start3A_40] : memref<2x10240x64xf32, #tpu.memory_space<hbm>> -> memref<1x640x64xf32, #tpu.memory_space<hbm>>
      %dma_start3A_42 = tpu.memref_squeeze %dma_start3A_41 : memref<1x640x64xf32, #tpu.memory_space<hbm>> -> memref<640x64xf32, #tpu.memory_space<hbm>>
      %dma_start3A_43 = arith.constant 0 : i32
      %dma_start3A_44 = tpu.memref_slice %arg11[%mul3A_38, %dma_start3A_43] : memref<10240x64xf32, #tpu.memory_space<vmem_shared>> -> memref<640x64xf32, #tpu.memory_space<vmem_shared>>
      tpu.enqueue_dma source(%dma_start3A_44 : memref<640x64xf32, #tpu.memory_space<vmem_shared>>) target(%dma_start3A_42 : memref<640x64xf32, #tpu.memory_space<hbm>>) target_semaphore(%run_scoped3A_39 : memref<!tpu.dma_semaphore, #tpu.memory_space<semaphore_mem>>)
      %dma_wait3A_45 = arith.constant 0 : i32
      %dma_wait3A_46 = tpu.memref_slice %arg6[%arg0, %mul3A_38, %dma_wait3A_45] : memref<2x10240x64xf32, #tpu.memory_space<hbm>> -> memref<1x640x64xf32, #tpu.memory_space<hbm>>
      %dma_wait3A_47 = tpu.memref_squeeze %dma_wait3A_46 : memref<1x640x64xf32, #tpu.memory_space<hbm>> -> memref<640x64xf32, #tpu.memory_space<hbm>>
      %dma_wait3A_48 = arith.constant 0 : i32
      %dma_wait3A_49 = tpu.memref_slice %arg11[%mul3A_38, %dma_wait3A_48] : memref<10240x64xf32, #tpu.memory_space<vmem_shared>> -> memref<640x64xf32, #tpu.memory_space<vmem_shared>>
      tpu.wait_dma2 semaphore(%run_scoped3A_39 : memref<!tpu.dma_semaphore, #tpu.memory_space<semaphore_mem>>) src(%dma_wait3A_49 : memref<640x64xf32, #tpu.memory_space<vmem_shared>>) dst(%dma_wait3A_47 : memref<640x64xf32, #tpu.memory_space<hbm>>)
      tpu.yield
    }) : () -> ()
    return
  }
}

#map = affine_map<(d0, d1) -> (0, 0)>
#map1 = affine_map<(d0, d1) -> (0, 0, 0)>
module attributes {stable_mosaic.version = 14 : i64} {
  func.func @sc_pass(%arg0: i32, %arg1: i32, %arg2: memref<10000x128xf32, #tpu.memory_space<hbm>>, %arg3: memref<32x160x64xi32, #tpu.memory_space<hbm>>, %arg4: memref<32x160x64xi32, #tpu.memory_space<hbm>>, %arg5: memref<640x128xf32, #tpu.memory_space<hbm>>, %arg6: memref<2x10240x128xf32, #tpu.memory_space<hbm>>, %arg7: memref<32x10240xf32, #tpu.memory_space<hbm>>, %arg8: memref<160x64xi32, #tpu.memory_space<vmem>>, %arg9: memref<160x64xi32, #tpu.memory_space<vmem>>, %arg10: memref<64x128xf32, #tpu.memory_space<vmem>>, %arg11: memref<64x128xf32, #tpu.memory_space<vmem>>, %arg12: memref<10240x128xf32, #tpu.memory_space<vmem_shared>>, %arg13: memref<!tpu.dma_semaphore, #tpu.memory_space<semaphore_mem>>, %arg14: memref<!tpu.dma_semaphore, #tpu.memory_space<semaphore_mem>>, %arg15: memref<10240xf32, #tpu.memory_space<vmem>>) attributes {dimension_semantics = [#tpu.dimension_semantics<core_parallel>, #tpu.dimension_semantics<subcore_parallel>], iteration_bounds = array<i64: 2, 16>, scalar_prefetch = 0 : i64, scratch_operands = 8 : i64, tpu.core_type = #tpu.core_type<sc_vector_subcore>, window_params = [{transform_indices = #map}, {transform_indices = #map1}, {transform_indices = #map1}, {transform_indices = #map}, {transform_indices = #map1}, {transform_indices = #map}]} {
    %mul3A = arith.constant 16 : i32
    %mul3A_0 = arith.muli %arg0, %mul3A : i32
    %add3A = arith.addi %mul3A_0, %arg1 : i32
    %mul3A_1 = arith.constant 640 : i32
    %mul3A_2 = arith.muli %arg1, %mul3A_1 : i32
    "tpu.region"() ({
      %run_scoped3A_78 = tpu.sem_alloc : memref<!tpu.dma_semaphore, #tpu.memory_space<semaphore_mem>>
      %dma_start3A_79 = arith.constant 0 : i32
      %dma_start3A_80 = tpu.memref_slice %arg12[%mul3A_2, %dma_start3A_79] : memref<10240x128xf32, #tpu.memory_space<vmem_shared>> -> memref<640x128xf32, #tpu.memory_space<vmem_shared>>
      tpu.enqueue_dma source(%arg5 : memref<640x128xf32, #tpu.memory_space<hbm>>) target(%dma_start3A_80 : memref<640x128xf32, #tpu.memory_space<vmem_shared>>) target_semaphore(%run_scoped3A_78 : memref<!tpu.dma_semaphore, #tpu.memory_space<semaphore_mem>>)
      %dma_wait3A_81 = arith.constant 0 : i32
      %dma_wait3A_82 = tpu.memref_slice %arg12[%mul3A_2, %dma_wait3A_81] : memref<10240x128xf32, #tpu.memory_space<vmem_shared>> -> memref<640x128xf32, #tpu.memory_space<vmem_shared>>
      tpu.wait_dma2 semaphore(%run_scoped3A_78 : memref<!tpu.dma_semaphore, #tpu.memory_space<semaphore_mem>>) src(%arg5 : memref<640x128xf32, #tpu.memory_space<hbm>>) dst(%dma_wait3A_82 : memref<640x128xf32, #tpu.memory_space<vmem_shared>>)
      tpu.yield
    }) : () -> ()
    %broadcast_in_dim3A = arith.constant 0.000000e+00 : f32
    %broadcast_in_dim3A_3 = vector.broadcast %broadcast_in_dim3A : f32 to vector<16xf32>
    %scan3A = arith.constant 0 : i32
    %scan3A_4 = arith.constant 0 : i32
    %scan3A_5 = arith.constant 640 : i32
    %scan3A_6 = arith.addi %scan3A_4, %scan3A_5 : i32
    %scan3A_7 = arith.constant 1 : i32
    scf.for %scan3A_78 = %scan3A_4 to %scan3A_6 step %scan3A_7  : i32 {
      %mul3A_79 = arith.constant 16 : i32
      %mul3A_80 = arith.muli %scan3A_78, %mul3A_79 : i32
      %swap3A = arith.index_cast %mul3A_80 : i32 to index
      %swap3A_81 = tpu.vector_load %arg15[%swap3A] {strides = array<i32>} : memref<10240xf32, #tpu.memory_space<vmem>>, vector<16xf32>,
      tpu.vector_store %arg15[%swap3A], %broadcast_in_dim3A_3 {strides = array<i32>} : memref<10240xf32, #tpu.memory_space<vmem>>, vector<16xf32>,
    }
    %scan3A_8 = arith.constant 640 : i32
    "tpu.region"() ({
      %run_scoped3A_78 = tpu.sem_alloc : memref<!tpu.dma_semaphore, #tpu.memory_space<semaphore_mem>>
      %dma_start3A_79 = arith.constant 0 : i32
      %dma_start3A_80 = arith.constant 0 : i32
      %dma_start3A_81 = tpu.memref_slice %arg3[%add3A, %dma_start3A_79, %dma_start3A_80] : memref<32x160x64xi32, #tpu.memory_space<hbm>> -> memref<1x160x64xi32, #tpu.memory_space<hbm>>
      %dma_start3A_82 = tpu.memref_squeeze %dma_start3A_81 : memref<1x160x64xi32, #tpu.memory_space<hbm>> -> memref<160x64xi32, #tpu.memory_space<hbm>>
      %dma_start3A_83 = arith.constant 0 : i32
      %dma_start3A_84 = arith.constant 0 : i32
      %dma_start3A_85 = tpu.memref_slice %arg3[%add3A, %dma_start3A_83, %dma_start3A_84] : memref<32x160x64xi32, #tpu.memory_space<hbm>> -> memref<1x160x64xi32, #tpu.memory_space<hbm>>
      %dma_start3A_86 = tpu.memref_squeeze %dma_start3A_85 : memref<1x160x64xi32, #tpu.memory_space<hbm>> -> memref<160x64xi32, #tpu.memory_space<hbm>>
      tpu.enqueue_dma source(%dma_start3A_86 : memref<160x64xi32, #tpu.memory_space<hbm>>) target(%arg8 : memref<160x64xi32, #tpu.memory_space<vmem>>) target_semaphore(%run_scoped3A_78 : memref<!tpu.dma_semaphore, #tpu.memory_space<semaphore_mem>>)
      %dma_wait3A_87 = arith.constant 0 : i32
      %dma_wait3A_88 = arith.constant 0 : i32
      %dma_wait3A_89 = tpu.memref_slice %arg3[%add3A, %dma_wait3A_87, %dma_wait3A_88] : memref<32x160x64xi32, #tpu.memory_space<hbm>> -> memref<1x160x64xi32, #tpu.memory_space<hbm>>
      %dma_wait3A_90 = tpu.memref_squeeze %dma_wait3A_89 : memref<1x160x64xi32, #tpu.memory_space<hbm>> -> memref<160x64xi32, #tpu.memory_space<hbm>>
      %dma_wait3A_91 = arith.constant 0 : i32
      %dma_wait3A_92 = arith.constant 0 : i32
      %dma_wait3A_93 = tpu.memref_slice %arg3[%add3A, %dma_wait3A_91, %dma_wait3A_92] : memref<32x160x64xi32, #tpu.memory_space<hbm>> -> memref<1x160x64xi32, #tpu.memory_space<hbm>>
      %dma_wait3A_94 = tpu.memref_squeeze %dma_wait3A_93 : memref<1x160x64xi32, #tpu.memory_space<hbm>> -> memref<160x64xi32, #tpu.memory_space<hbm>>
      tpu.wait_dma2 semaphore(%run_scoped3A_78 : memref<!tpu.dma_semaphore, #tpu.memory_space<semaphore_mem>>) src(%dma_wait3A_94 : memref<160x64xi32, #tpu.memory_space<hbm>>) dst(%arg8 : memref<160x64xi32, #tpu.memory_space<vmem>>)
      tpu.yield
    }) : () -> ()
    "tpu.region"() ({
      %run_scoped3A_78 = tpu.sem_alloc : memref<!tpu.dma_semaphore, #tpu.memory_space<semaphore_mem>>
      %dma_start3A_79 = arith.constant 0 : i32
      %dma_start3A_80 = arith.constant 0 : i32
      %dma_start3A_81 = tpu.memref_slice %arg4[%add3A, %dma_start3A_79, %dma_start3A_80] : memref<32x160x64xi32, #tpu.memory_space<hbm>> -> memref<1x160x64xi32, #tpu.memory_space<hbm>>
      %dma_start3A_82 = tpu.memref_squeeze %dma_start3A_81 : memref<1x160x64xi32, #tpu.memory_space<hbm>> -> memref<160x64xi32, #tpu.memory_space<hbm>>
      %dma_start3A_83 = arith.constant 0 : i32
      %dma_start3A_84 = arith.constant 0 : i32
      %dma_start3A_85 = tpu.memref_slice %arg4[%add3A, %dma_start3A_83, %dma_start3A_84] : memref<32x160x64xi32, #tpu.memory_space<hbm>> -> memref<1x160x64xi32, #tpu.memory_space<hbm>>
      %dma_start3A_86 = tpu.memref_squeeze %dma_start3A_85 : memref<1x160x64xi32, #tpu.memory_space<hbm>> -> memref<160x64xi32, #tpu.memory_space<hbm>>
      tpu.enqueue_dma source(%dma_start3A_86 : memref<160x64xi32, #tpu.memory_space<hbm>>) target(%arg9 : memref<160x64xi32, #tpu.memory_space<vmem>>) target_semaphore(%run_scoped3A_78 : memref<!tpu.dma_semaphore, #tpu.memory_space<semaphore_mem>>)
      %dma_wait3A_87 = arith.constant 0 : i32
      %dma_wait3A_88 = arith.constant 0 : i32
      %dma_wait3A_89 = tpu.memref_slice %arg4[%add3A, %dma_wait3A_87, %dma_wait3A_88] : memref<32x160x64xi32, #tpu.memory_space<hbm>> -> memref<1x160x64xi32, #tpu.memory_space<hbm>>
      %dma_wait3A_90 = tpu.memref_squeeze %dma_wait3A_89 : memref<1x160x64xi32, #tpu.memory_space<hbm>> -> memref<160x64xi32, #tpu.memory_space<hbm>>
      %dma_wait3A_91 = arith.constant 0 : i32
      %dma_wait3A_92 = arith.constant 0 : i32
      %dma_wait3A_93 = tpu.memref_slice %arg4[%add3A, %dma_wait3A_91, %dma_wait3A_92] : memref<32x160x64xi32, #tpu.memory_space<hbm>> -> memref<1x160x64xi32, #tpu.memory_space<hbm>>
      %dma_wait3A_94 = tpu.memref_squeeze %dma_wait3A_93 : memref<1x160x64xi32, #tpu.memory_space<hbm>> -> memref<160x64xi32, #tpu.memory_space<hbm>>
      tpu.wait_dma2 semaphore(%run_scoped3A_78 : memref<!tpu.dma_semaphore, #tpu.memory_space<semaphore_mem>>) src(%dma_wait3A_94 : memref<160x64xi32, #tpu.memory_space<hbm>>) dst(%arg9 : memref<160x64xi32, #tpu.memory_space<vmem>>)
      tpu.yield
    }) : () -> ()
    %barrier3A = arith.constant 0 : index
    tpu.barrier barrier_id(%barrier3A)
    %broadcast_in_dim3A_9 = arith.constant 1.000000e+00 : f32
    %broadcast_in_dim3A_10 = vector.broadcast %broadcast_in_dim3A_9 : f32 to vector<16xf32>
    %dma_start3A = arith.constant 0 : i32
    %dma_start3A_11 = arith.constant 0 : i32
    %dma_start3A_12 = tpu.memref_slice %arg8[%dma_start3A, %dma_start3A_11] : memref<160x64xi32, #tpu.memory_space<vmem>> -> memref<1x64xi32, #tpu.memory_space<vmem>>
    %dma_start3A_13 = tpu.memref_squeeze %dma_start3A_12 : memref<1x64xi32, #tpu.memory_space<vmem>> -> memref<64xi32, #tpu.memory_space<vmem>>
    %dma_start3A_14 = arith.constant 0 : i32
    %dma_start3A_15 = arith.constant 0 : i32
    %dma_start3A_16 = tpu.memref_slice %arg2[%dma_start3A_14, %dma_start3A_15] : memref<10000x128xf32, #tpu.memory_space<hbm>> -> memref<10000x128xf32, #tpu.memory_space<hbm>>
    tpu.enqueue_indirect_dma source(%dma_start3A_16 : memref<10000x128xf32, #tpu.memory_space<hbm>>) target(%arg10 : memref<64x128xf32, #tpu.memory_space<vmem>>) offsets(%dma_start3A_13 : memref<64xi32, #tpu.memory_space<vmem>>) semaphore(%arg13 : memref<!tpu.dma_semaphore, #tpu.memory_space<semaphore_mem>>)
    %dma_start3A_17 = arith.constant 1 : i32
    %dma_start3A_18 = arith.constant 0 : i32
    %dma_start3A_19 = tpu.memref_slice %arg8[%dma_start3A_17, %dma_start3A_18] : memref<160x64xi32, #tpu.memory_space<vmem>> -> memref<1x64xi32, #tpu.memory_space<vmem>>
    %dma_start3A_20 = tpu.memref_squeeze %dma_start3A_19 : memref<1x64xi32, #tpu.memory_space<vmem>> -> memref<64xi32, #tpu.memory_space<vmem>>
    %dma_start3A_21 = arith.constant 0 : i32
    %dma_start3A_22 = arith.constant 0 : i32
    %dma_start3A_23 = tpu.memref_slice %arg2[%dma_start3A_21, %dma_start3A_22] : memref<10000x128xf32, #tpu.memory_space<hbm>> -> memref<10000x128xf32, #tpu.memory_space<hbm>>
    tpu.enqueue_indirect_dma source(%dma_start3A_23 : memref<10000x128xf32, #tpu.memory_space<hbm>>) target(%arg11 : memref<64x128xf32, #tpu.memory_space<vmem>>) offsets(%dma_start3A_20 : memref<64xi32, #tpu.memory_space<vmem>>) semaphore(%arg14 : memref<!tpu.dma_semaphore, #tpu.memory_space<semaphore_mem>>)
    %scan3A_24 = arith.constant 0 : i32
    %scan3A_25 = arith.constant 0 : i32
    %scan3A_26 = arith.constant 79 : i32
    %scan3A_27 = arith.addi %scan3A_25, %scan3A_26 : i32
    %scan3A_28 = arith.constant 1 : i32
    scf.for %scan3A_78 = %scan3A_25 to %scan3A_27 step %scan3A_28  : i32 {
      %mul3A_79 = arith.constant 2 : i32
      %mul3A_80 = arith.muli %mul3A_79, %scan3A_78 : i32
      %add3A_81 = arith.constant 0 : i32
      %add3A_82 = arith.addi %mul3A_80, %add3A_81 : i32
      %dma_wait3A_83 = arith.constant 0 : i32
      %dma_wait3A_84 = arith.constant 0 : i32
      %dma_wait3A_85 = tpu.memref_slice %arg8[%dma_wait3A_83, %dma_wait3A_84] : memref<160x64xi32, #tpu.memory_space<vmem>> -> memref<1x64xi32, #tpu.memory_space<vmem>>
      %dma_wait3A_86 = tpu.memref_squeeze %dma_wait3A_85 : memref<1x64xi32, #tpu.memory_space<vmem>> -> memref<64xi32, #tpu.memory_space<vmem>>
      %dma_wait3A_87 = arith.constant 0 : i32
      %dma_wait3A_88 = arith.constant 0 : i32
      %dma_wait3A_89 = tpu.memref_slice %arg2[%dma_wait3A_87, %dma_wait3A_88] : memref<10000x128xf32, #tpu.memory_space<hbm>> -> memref<10000x128xf32, #tpu.memory_space<hbm>>
      tpu.wait_indirect_dma semaphore(%arg13 : memref<!tpu.dma_semaphore, #tpu.memory_space<semaphore_mem>>) src(%dma_wait3A_89 : memref<10000x128xf32, #tpu.memory_space<hbm>>) dst(%arg10 : memref<64x128xf32, #tpu.memory_space<vmem>>)
      "tpu.region"() ({
        %run_scoped3A_139 = tpu.sem_alloc : memref<!tpu.dma_semaphore, #tpu.memory_space<semaphore_mem>>
        %dma_start3A_140 = arith.constant 0 : i32
        %dma_start3A_141 = tpu.memref_slice %arg9[%add3A_82, %dma_start3A_140] : memref<160x64xi32, #tpu.memory_space<vmem>> -> memref<1x64xi32, #tpu.memory_space<vmem>>
        %dma_start3A_142 = tpu.memref_squeeze %dma_start3A_141 : memref<1x64xi32, #tpu.memory_space<vmem>> -> memref<64xi32, #tpu.memory_space<vmem>>
        %dma_start3A_143 = arith.constant 0 : i32
        %dma_start3A_144 = arith.constant 0 : i32
        %dma_start3A_145 = tpu.memref_slice %arg12[%dma_start3A_143, %dma_start3A_144] : memref<10240x128xf32, #tpu.memory_space<vmem_shared>> -> memref<10240x128xf32, #tpu.memory_space<vmem_shared>>
        tpu.enqueue_indirect_dma source(%arg10 : memref<64x128xf32, #tpu.memory_space<vmem>>) target(%dma_start3A_145 : memref<10240x128xf32, #tpu.memory_space<vmem_shared>>) offsets(%dma_start3A_142 : memref<64xi32, #tpu.memory_space<vmem>>) semaphore(%run_scoped3A_139 : memref<!tpu.dma_semaphore, #tpu.memory_space<semaphore_mem>>) {add = true}
        %dma_wait3A_146 = arith.constant 0 : i32
        %dma_wait3A_147 = tpu.memref_slice %arg9[%add3A_82, %dma_wait3A_146] : memref<160x64xi32, #tpu.memory_space<vmem>> -> memref<1x64xi32, #tpu.memory_space<vmem>>
        %dma_wait3A_148 = tpu.memref_squeeze %dma_wait3A_147 : memref<1x64xi32, #tpu.memory_space<vmem>> -> memref<64xi32, #tpu.memory_space<vmem>>
        %dma_wait3A_149 = arith.constant 0 : i32
        %dma_wait3A_150 = arith.constant 0 : i32
        %dma_wait3A_151 = tpu.memref_slice %arg12[%dma_wait3A_149, %dma_wait3A_150] : memref<10240x128xf32, #tpu.memory_space<vmem_shared>> -> memref<10240x128xf32, #tpu.memory_space<vmem_shared>>
        tpu.wait_indirect_dma semaphore(%run_scoped3A_139 : memref<!tpu.dma_semaphore, #tpu.memory_space<semaphore_mem>>) src(%arg10 : memref<64x128xf32, #tpu.memory_space<vmem>>) dst(%dma_wait3A_151 : memref<10240x128xf32, #tpu.memory_space<vmem_shared>>)
        tpu.yield
      }) : () -> ()
      %get3A_90 = arith.index_cast %add3A_82 : i32 to index
      %get3A_91 = arith.constant 0 : index
      %get3A_92 = tpu.vector_load %arg9[%get3A_90, %get3A_91] {strides = array<i32>} : memref<160x64xi32, #tpu.memory_space<vmem>>, vector<16xi32>,
      tpu.vector_store_idx %arg15[%get3A_92], %broadcast_in_dim3A_10 {add = true} : memref<10240xf32, #tpu.memory_space<vmem>>[vector<16xi32>], vector<16xf32>,
      %get3A_93 = arith.index_cast %add3A_82 : i32 to index
      %get3A_94 = arith.constant 16 : index
      %get3A_95 = tpu.vector_load %arg9[%get3A_93, %get3A_94] {strides = array<i32>} : memref<160x64xi32, #tpu.memory_space<vmem>>, vector<16xi32>,
      tpu.vector_store_idx %arg15[%get3A_95], %broadcast_in_dim3A_10 {add = true} : memref<10240xf32, #tpu.memory_space<vmem>>[vector<16xi32>], vector<16xf32>,
      %get3A_96 = arith.index_cast %add3A_82 : i32 to index
      %get3A_97 = arith.constant 32 : index
      %get3A_98 = tpu.vector_load %arg9[%get3A_96, %get3A_97] {strides = array<i32>} : memref<160x64xi32, #tpu.memory_space<vmem>>, vector<16xi32>,
      tpu.vector_store_idx %arg15[%get3A_98], %broadcast_in_dim3A_10 {add = true} : memref<10240xf32, #tpu.memory_space<vmem>>[vector<16xi32>], vector<16xf32>,
      %get3A_99 = arith.index_cast %add3A_82 : i32 to index
      %get3A_100 = arith.constant 48 : index
      %get3A_101 = tpu.vector_load %arg9[%get3A_99, %get3A_100] {strides = array<i32>} : memref<160x64xi32, #tpu.memory_space<vmem>>, vector<16xi32>,
      tpu.vector_store_idx %arg15[%get3A_101], %broadcast_in_dim3A_10 {add = true} : memref<10240xf32, #tpu.memory_space<vmem>>[vector<16xi32>], vector<16xf32>,
      %add3A_102 = arith.constant 2 : i32
      %add3A_103 = arith.addi %add3A_82, %add3A_102 : i32
      %dma_start3A_104 = arith.constant 0 : i32
      %dma_start3A_105 = tpu.memref_slice %arg8[%add3A_103, %dma_start3A_104] : memref<160x64xi32, #tpu.memory_space<vmem>> -> memref<1x64xi32, #tpu.memory_space<vmem>>
      %dma_start3A_106 = tpu.memref_squeeze %dma_start3A_105 : memref<1x64xi32, #tpu.memory_space<vmem>> -> memref<64xi32, #tpu.memory_space<vmem>>
      %dma_start3A_107 = arith.constant 0 : i32
      %dma_start3A_108 = arith.constant 0 : i32
      %dma_start3A_109 = tpu.memref_slice %arg2[%dma_start3A_107, %dma_start3A_108] : memref<10000x128xf32, #tpu.memory_space<hbm>> -> memref<10000x128xf32, #tpu.memory_space<hbm>>
      tpu.enqueue_indirect_dma source(%dma_start3A_109 : memref<10000x128xf32, #tpu.memory_space<hbm>>) target(%arg10 : memref<64x128xf32, #tpu.memory_space<vmem>>) offsets(%dma_start3A_106 : memref<64xi32, #tpu.memory_space<vmem>>) semaphore(%arg13 : memref<!tpu.dma_semaphore, #tpu.memory_space<semaphore_mem>>)
      %add3A_110 = arith.constant 1 : i32
      %add3A_111 = arith.addi %mul3A_80, %add3A_110 : i32
      %dma_wait3A_112 = arith.constant 0 : i32
      %dma_wait3A_113 = arith.constant 0 : i32
      %dma_wait3A_114 = tpu.memref_slice %arg8[%dma_wait3A_112, %dma_wait3A_113] : memref<160x64xi32, #tpu.memory_space<vmem>> -> memref<1x64xi32, #tpu.memory_space<vmem>>
      %dma_wait3A_115 = tpu.memref_squeeze %dma_wait3A_114 : memref<1x64xi32, #tpu.memory_space<vmem>> -> memref<64xi32, #tpu.memory_space<vmem>>
      %dma_wait3A_116 = arith.constant 0 : i32
      %dma_wait3A_117 = arith.constant 0 : i32
      %dma_wait3A_118 = tpu.memref_slice %arg2[%dma_wait3A_116, %dma_wait3A_117] : memref<10000x128xf32, #tpu.memory_space<hbm>> -> memref<10000x128xf32, #tpu.memory_space<hbm>>
      tpu.wait_indirect_dma semaphore(%arg14 : memref<!tpu.dma_semaphore, #tpu.memory_space<semaphore_mem>>) src(%dma_wait3A_118 : memref<10000x128xf32, #tpu.memory_space<hbm>>) dst(%arg11 : memref<64x128xf32, #tpu.memory_space<vmem>>)
      "tpu.region"() ({
        %run_scoped3A_139 = tpu.sem_alloc : memref<!tpu.dma_semaphore, #tpu.memory_space<semaphore_mem>>
        %dma_start3A_140 = arith.constant 0 : i32
        %dma_start3A_141 = tpu.memref_slice %arg9[%add3A_111, %dma_start3A_140] : memref<160x64xi32, #tpu.memory_space<vmem>> -> memref<1x64xi32, #tpu.memory_space<vmem>>
        %dma_start3A_142 = tpu.memref_squeeze %dma_start3A_141 : memref<1x64xi32, #tpu.memory_space<vmem>> -> memref<64xi32, #tpu.memory_space<vmem>>
        %dma_start3A_143 = arith.constant 0 : i32
        %dma_start3A_144 = arith.constant 0 : i32
        %dma_start3A_145 = tpu.memref_slice %arg12[%dma_start3A_143, %dma_start3A_144] : memref<10240x128xf32, #tpu.memory_space<vmem_shared>> -> memref<10240x128xf32, #tpu.memory_space<vmem_shared>>
        tpu.enqueue_indirect_dma source(%arg11 : memref<64x128xf32, #tpu.memory_space<vmem>>) target(%dma_start3A_145 : memref<10240x128xf32, #tpu.memory_space<vmem_shared>>) offsets(%dma_start3A_142 : memref<64xi32, #tpu.memory_space<vmem>>) semaphore(%run_scoped3A_139 : memref<!tpu.dma_semaphore, #tpu.memory_space<semaphore_mem>>) {add = true}
        %dma_wait3A_146 = arith.constant 0 : i32
        %dma_wait3A_147 = tpu.memref_slice %arg9[%add3A_111, %dma_wait3A_146] : memref<160x64xi32, #tpu.memory_space<vmem>> -> memref<1x64xi32, #tpu.memory_space<vmem>>
        %dma_wait3A_148 = tpu.memref_squeeze %dma_wait3A_147 : memref<1x64xi32, #tpu.memory_space<vmem>> -> memref<64xi32, #tpu.memory_space<vmem>>
        %dma_wait3A_149 = arith.constant 0 : i32
        %dma_wait3A_150 = arith.constant 0 : i32
        %dma_wait3A_151 = tpu.memref_slice %arg12[%dma_wait3A_149, %dma_wait3A_150] : memref<10240x128xf32, #tpu.memory_space<vmem_shared>> -> memref<10240x128xf32, #tpu.memory_space<vmem_shared>>
        tpu.wait_indirect_dma semaphore(%run_scoped3A_139 : memref<!tpu.dma_semaphore, #tpu.memory_space<semaphore_mem>>) src(%arg11 : memref<64x128xf32, #tpu.memory_space<vmem>>) dst(%dma_wait3A_151 : memref<10240x128xf32, #tpu.memory_space<vmem_shared>>)
        tpu.yield
      }) : () -> ()
      %get3A_119 = arith.index_cast %add3A_111 : i32 to index
      %get3A_120 = arith.constant 0 : index
      %get3A_121 = tpu.vector_load %arg9[%get3A_119, %get3A_120] {strides = array<i32>} : memref<160x64xi32, #tpu.memory_space<vmem>>, vector<16xi32>,
      tpu.vector_store_idx %arg15[%get3A_121], %broadcast_in_dim3A_10 {add = true} : memref<10240xf32, #tpu.memory_space<vmem>>[vector<16xi32>], vector<16xf32>,
      %get3A_122 = arith.index_cast %add3A_111 : i32 to index
      %get3A_123 = arith.constant 16 : index
      %get3A_124 = tpu.vector_load %arg9[%get3A_122, %get3A_123] {strides = array<i32>} : memref<160x64xi32, #tpu.memory_space<vmem>>, vector<16xi32>,
      tpu.vector_store_idx %arg15[%get3A_124], %broadcast_in_dim3A_10 {add = true} : memref<10240xf32, #tpu.memory_space<vmem>>[vector<16xi32>], vector<16xf32>,
      %get3A_125 = arith.index_cast %add3A_111 : i32 to index
      %get3A_126 = arith.constant 32 : index
      %get3A_127 = tpu.vector_load %arg9[%get3A_125, %get3A_126] {strides = array<i32>} : memref<160x64xi32, #tpu.memory_space<vmem>>, vector<16xi32>,
      tpu.vector_store_idx %arg15[%get3A_127], %broadcast_in_dim3A_10 {add = true} : memref<10240xf32, #tpu.memory_space<vmem>>[vector<16xi32>], vector<16xf32>,
      %get3A_128 = arith.index_cast %add3A_111 : i32 to index
      %get3A_129 = arith.constant 48 : index
      %get3A_130 = tpu.vector_load %arg9[%get3A_128, %get3A_129] {strides = array<i32>} : memref<160x64xi32, #tpu.memory_space<vmem>>, vector<16xi32>,
      tpu.vector_store_idx %arg15[%get3A_130], %broadcast_in_dim3A_10 {add = true} : memref<10240xf32, #tpu.memory_space<vmem>>[vector<16xi32>], vector<16xf32>,
      %add3A_131 = arith.constant 2 : i32
      %add3A_132 = arith.addi %add3A_111, %add3A_131 : i32
      %dma_start3A_133 = arith.constant 0 : i32
      %dma_start3A_134 = tpu.memref_slice %arg8[%add3A_132, %dma_start3A_133] : memref<160x64xi32, #tpu.memory_space<vmem>> -> memref<1x64xi32, #tpu.memory_space<vmem>>
      %dma_start3A_135 = tpu.memref_squeeze %dma_start3A_134 : memref<1x64xi32, #tpu.memory_space<vmem>> -> memref<64xi32, #tpu.memory_space<vmem>>
      %dma_start3A_136 = arith.constant 0 : i32
      %dma_start3A_137 = arith.constant 0 : i32
      %dma_start3A_138 = tpu.memref_slice %arg2[%dma_start3A_136, %dma_start3A_137] : memref<10000x128xf32, #tpu.memory_space<hbm>> -> memref<10000x128xf32, #tpu.memory_space<hbm>>
      tpu.enqueue_indirect_dma source(%dma_start3A_138 : memref<10000x128xf32, #tpu.memory_space<hbm>>) target(%arg11 : memref<64x128xf32, #tpu.memory_space<vmem>>) offsets(%dma_start3A_135 : memref<64xi32, #tpu.memory_space<vmem>>) semaphore(%arg14 : memref<!tpu.dma_semaphore, #tpu.memory_space<semaphore_mem>>)
    }
    %scan3A_29 = arith.constant 79 : i32
    %dma_wait3A = arith.constant 0 : i32
    %dma_wait3A_30 = arith.constant 0 : i32
    %dma_wait3A_31 = tpu.memref_slice %arg8[%dma_wait3A, %dma_wait3A_30] : memref<160x64xi32, #tpu.memory_space<vmem>> -> memref<1x64xi32, #tpu.memory_space<vmem>>
    %dma_wait3A_32 = tpu.memref_squeeze %dma_wait3A_31 : memref<1x64xi32, #tpu.memory_space<vmem>> -> memref<64xi32, #tpu.memory_space<vmem>>
    %dma_wait3A_33 = arith.constant 0 : i32
    %dma_wait3A_34 = arith.constant 0 : i32
    %dma_wait3A_35 = tpu.memref_slice %arg2[%dma_wait3A_33, %dma_wait3A_34] : memref<10000x128xf32, #tpu.memory_space<hbm>> -> memref<10000x128xf32, #tpu.memory_space<hbm>>
    tpu.wait_indirect_dma semaphore(%arg13 : memref<!tpu.dma_semaphore, #tpu.memory_space<semaphore_mem>>) src(%dma_wait3A_35 : memref<10000x128xf32, #tpu.memory_space<hbm>>) dst(%arg10 : memref<64x128xf32, #tpu.memory_space<vmem>>)
    %run_scoped3A = arith.constant 158 : i32
    "tpu.region"() ({
      %run_scoped3A_78 = tpu.sem_alloc : memref<!tpu.dma_semaphore, #tpu.memory_space<semaphore_mem>>
      %dma_start3A_79 = arith.constant 0 : i32
      %dma_start3A_80 = tpu.memref_slice %arg9[%run_scoped3A, %dma_start3A_79] : memref<160x64xi32, #tpu.memory_space<vmem>> -> memref<1x64xi32, #tpu.memory_space<vmem>>
      %dma_start3A_81 = tpu.memref_squeeze %dma_start3A_80 : memref<1x64xi32, #tpu.memory_space<vmem>> -> memref<64xi32, #tpu.memory_space<vmem>>
      %dma_start3A_82 = arith.constant 0 : i32
      %dma_start3A_83 = arith.constant 0 : i32
      %dma_start3A_84 = tpu.memref_slice %arg12[%dma_start3A_82, %dma_start3A_83] : memref<10240x128xf32, #tpu.memory_space<vmem_shared>> -> memref<10240x128xf32, #tpu.memory_space<vmem_shared>>
      tpu.enqueue_indirect_dma source(%arg10 : memref<64x128xf32, #tpu.memory_space<vmem>>) target(%dma_start3A_84 : memref<10240x128xf32, #tpu.memory_space<vmem_shared>>) offsets(%dma_start3A_81 : memref<64xi32, #tpu.memory_space<vmem>>) semaphore(%run_scoped3A_78 : memref<!tpu.dma_semaphore, #tpu.memory_space<semaphore_mem>>) {add = true}
      %dma_wait3A_85 = arith.constant 0 : i32
      %dma_wait3A_86 = tpu.memref_slice %arg9[%run_scoped3A, %dma_wait3A_85] : memref<160x64xi32, #tpu.memory_space<vmem>> -> memref<1x64xi32, #tpu.memory_space<vmem>>
      %dma_wait3A_87 = tpu.memref_squeeze %dma_wait3A_86 : memref<1x64xi32, #tpu.memory_space<vmem>> -> memref<64xi32, #tpu.memory_space<vmem>>
      %dma_wait3A_88 = arith.constant 0 : i32
      %dma_wait3A_89 = arith.constant 0 : i32
      %dma_wait3A_90 = tpu.memref_slice %arg12[%dma_wait3A_88, %dma_wait3A_89] : memref<10240x128xf32, #tpu.memory_space<vmem_shared>> -> memref<10240x128xf32, #tpu.memory_space<vmem_shared>>
      tpu.wait_indirect_dma semaphore(%run_scoped3A_78 : memref<!tpu.dma_semaphore, #tpu.memory_space<semaphore_mem>>) src(%arg10 : memref<64x128xf32, #tpu.memory_space<vmem>>) dst(%dma_wait3A_90 : memref<10240x128xf32, #tpu.memory_space<vmem_shared>>)
      tpu.yield
    }) : () -> ()
    %get3A = arith.constant 158 : i32
    %get3A_36 = arith.index_cast %get3A : i32 to index
    %get3A_37 = arith.constant 0 : index
    %get3A_38 = tpu.vector_load %arg9[%get3A_36, %get3A_37] {strides = array<i32>} : memref<160x64xi32, #tpu.memory_space<vmem>>, vector<16xi32>,
    tpu.vector_store_idx %arg15[%get3A_38], %broadcast_in_dim3A_10 {add = true} : memref<10240xf32, #tpu.memory_space<vmem>>[vector<16xi32>], vector<16xf32>,
    %get3A_39 = arith.constant 158 : i32
    %get3A_40 = arith.index_cast %get3A_39 : i32 to index
    %get3A_41 = arith.constant 16 : index
    %get3A_42 = tpu.vector_load %arg9[%get3A_40, %get3A_41] {strides = array<i32>} : memref<160x64xi32, #tpu.memory_space<vmem>>, vector<16xi32>,
    tpu.vector_store_idx %arg15[%get3A_42], %broadcast_in_dim3A_10 {add = true} : memref<10240xf32, #tpu.memory_space<vmem>>[vector<16xi32>], vector<16xf32>,
    %get3A_43 = arith.constant 158 : i32
    %get3A_44 = arith.index_cast %get3A_43 : i32 to index
    %get3A_45 = arith.constant 32 : index
    %get3A_46 = tpu.vector_load %arg9[%get3A_44, %get3A_45] {strides = array<i32>} : memref<160x64xi32, #tpu.memory_space<vmem>>, vector<16xi32>,
    tpu.vector_store_idx %arg15[%get3A_46], %broadcast_in_dim3A_10 {add = true} : memref<10240xf32, #tpu.memory_space<vmem>>[vector<16xi32>], vector<16xf32>,
    %get3A_47 = arith.constant 158 : i32
    %get3A_48 = arith.index_cast %get3A_47 : i32 to index
    %get3A_49 = arith.constant 48 : index
    %get3A_50 = tpu.vector_load %arg9[%get3A_48, %get3A_49] {strides = array<i32>} : memref<160x64xi32, #tpu.memory_space<vmem>>, vector<16xi32>,
    tpu.vector_store_idx %arg15[%get3A_50], %broadcast_in_dim3A_10 {add = true} : memref<10240xf32, #tpu.memory_space<vmem>>[vector<16xi32>], vector<16xf32>,
    %dma_wait3A_51 = arith.constant 0 : i32
    %dma_wait3A_52 = arith.constant 0 : i32
    %dma_wait3A_53 = tpu.memref_slice %arg8[%dma_wait3A_51, %dma_wait3A_52] : memref<160x64xi32, #tpu.memory_space<vmem>> -> memref<1x64xi32, #tpu.memory_space<vmem>>
    %dma_wait3A_54 = tpu.memref_squeeze %dma_wait3A_53 : memref<1x64xi32, #tpu.memory_space<vmem>> -> memref<64xi32, #tpu.memory_space<vmem>>
    %dma_wait3A_55 = arith.constant 0 : i32
    %dma_wait3A_56 = arith.constant 0 : i32
    %dma_wait3A_57 = tpu.memref_slice %arg2[%dma_wait3A_55, %dma_wait3A_56] : memref<10000x128xf32, #tpu.memory_space<hbm>> -> memref<10000x128xf32, #tpu.memory_space<hbm>>
    tpu.wait_indirect_dma semaphore(%arg14 : memref<!tpu.dma_semaphore, #tpu.memory_space<semaphore_mem>>) src(%dma_wait3A_57 : memref<10000x128xf32, #tpu.memory_space<hbm>>) dst(%arg11 : memref<64x128xf32, #tpu.memory_space<vmem>>)
    %run_scoped3A_58 = arith.constant 159 : i32
    "tpu.region"() ({
      %run_scoped3A_78 = tpu.sem_alloc : memref<!tpu.dma_semaphore, #tpu.memory_space<semaphore_mem>>
      %dma_start3A_79 = arith.constant 0 : i32
      %dma_start3A_80 = tpu.memref_slice %arg9[%run_scoped3A_58, %dma_start3A_79] : memref<160x64xi32, #tpu.memory_space<vmem>> -> memref<1x64xi32, #tpu.memory_space<vmem>>
      %dma_start3A_81 = tpu.memref_squeeze %dma_start3A_80 : memref<1x64xi32, #tpu.memory_space<vmem>> -> memref<64xi32, #tpu.memory_space<vmem>>
      %dma_start3A_82 = arith.constant 0 : i32
      %dma_start3A_83 = arith.constant 0 : i32
      %dma_start3A_84 = tpu.memref_slice %arg12[%dma_start3A_82, %dma_start3A_83] : memref<10240x128xf32, #tpu.memory_space<vmem_shared>> -> memref<10240x128xf32, #tpu.memory_space<vmem_shared>>
      tpu.enqueue_indirect_dma source(%arg11 : memref<64x128xf32, #tpu.memory_space<vmem>>) target(%dma_start3A_84 : memref<10240x128xf32, #tpu.memory_space<vmem_shared>>) offsets(%dma_start3A_81 : memref<64xi32, #tpu.memory_space<vmem>>) semaphore(%run_scoped3A_78 : memref<!tpu.dma_semaphore, #tpu.memory_space<semaphore_mem>>) {add = true}
      %dma_wait3A_85 = arith.constant 0 : i32
      %dma_wait3A_86 = tpu.memref_slice %arg9[%run_scoped3A_58, %dma_wait3A_85] : memref<160x64xi32, #tpu.memory_space<vmem>> -> memref<1x64xi32, #tpu.memory_space<vmem>>
      %dma_wait3A_87 = tpu.memref_squeeze %dma_wait3A_86 : memref<1x64xi32, #tpu.memory_space<vmem>> -> memref<64xi32, #tpu.memory_space<vmem>>
      %dma_wait3A_88 = arith.constant 0 : i32
      %dma_wait3A_89 = arith.constant 0 : i32
      %dma_wait3A_90 = tpu.memref_slice %arg12[%dma_wait3A_88, %dma_wait3A_89] : memref<10240x128xf32, #tpu.memory_space<vmem_shared>> -> memref<10240x128xf32, #tpu.memory_space<vmem_shared>>
      tpu.wait_indirect_dma semaphore(%run_scoped3A_78 : memref<!tpu.dma_semaphore, #tpu.memory_space<semaphore_mem>>) src(%arg11 : memref<64x128xf32, #tpu.memory_space<vmem>>) dst(%dma_wait3A_90 : memref<10240x128xf32, #tpu.memory_space<vmem_shared>>)
      tpu.yield
    }) : () -> ()
    %get3A_59 = arith.constant 159 : i32
    %get3A_60 = arith.index_cast %get3A_59 : i32 to index
    %get3A_61 = arith.constant 0 : index
    %get3A_62 = tpu.vector_load %arg9[%get3A_60, %get3A_61] {strides = array<i32>} : memref<160x64xi32, #tpu.memory_space<vmem>>, vector<16xi32>,
    tpu.vector_store_idx %arg15[%get3A_62], %broadcast_in_dim3A_10 {add = true} : memref<10240xf32, #tpu.memory_space<vmem>>[vector<16xi32>], vector<16xf32>,
    %get3A_63 = arith.constant 159 : i32
    %get3A_64 = arith.index_cast %get3A_63 : i32 to index
    %get3A_65 = arith.constant 16 : index
    %get3A_66 = tpu.vector_load %arg9[%get3A_64, %get3A_65] {strides = array<i32>} : memref<160x64xi32, #tpu.memory_space<vmem>>, vector<16xi32>,
    tpu.vector_store_idx %arg15[%get3A_66], %broadcast_in_dim3A_10 {add = true} : memref<10240xf32, #tpu.memory_space<vmem>>[vector<16xi32>], vector<16xf32>,
    %get3A_67 = arith.constant 159 : i32
    %get3A_68 = arith.index_cast %get3A_67 : i32 to index
    %get3A_69 = arith.constant 32 : index
    %get3A_70 = tpu.vector_load %arg9[%get3A_68, %get3A_69] {strides = array<i32>} : memref<160x64xi32, #tpu.memory_space<vmem>>, vector<16xi32>,
    tpu.vector_store_idx %arg15[%get3A_70], %broadcast_in_dim3A_10 {add = true} : memref<10240xf32, #tpu.memory_space<vmem>>[vector<16xi32>], vector<16xf32>,
    %get3A_71 = arith.constant 159 : i32
    %get3A_72 = arith.index_cast %get3A_71 : i32 to index
    %get3A_73 = arith.constant 48 : index
    %get3A_74 = tpu.vector_load %arg9[%get3A_72, %get3A_73] {strides = array<i32>} : memref<160x64xi32, #tpu.memory_space<vmem>>, vector<16xi32>,
    tpu.vector_store_idx %arg15[%get3A_74], %broadcast_in_dim3A_10 {add = true} : memref<10240xf32, #tpu.memory_space<vmem>>[vector<16xi32>], vector<16xf32>,
    %barrier3A_75 = arith.constant 0 : index
    tpu.barrier barrier_id(%barrier3A_75)
    %mul3A_76 = arith.constant 640 : i32
    %mul3A_77 = arith.muli %arg1, %mul3A_76 : i32
    "tpu.region"() ({
      %run_scoped3A_78 = tpu.sem_alloc : memref<!tpu.dma_semaphore, #tpu.memory_space<semaphore_mem>>
      %dma_start3A_79 = arith.constant 0 : i32
      %dma_start3A_80 = tpu.memref_slice %arg6[%arg0, %mul3A_77, %dma_start3A_79] : memref<2x10240x128xf32, #tpu.memory_space<hbm>> -> memref<1x640x128xf32, #tpu.memory_space<hbm>>
      %dma_start3A_81 = tpu.memref_squeeze %dma_start3A_80 : memref<1x640x128xf32, #tpu.memory_space<hbm>> -> memref<640x128xf32, #tpu.memory_space<hbm>>
      %dma_start3A_82 = arith.constant 0 : i32
      %dma_start3A_83 = tpu.memref_slice %arg12[%mul3A_77, %dma_start3A_82] : memref<10240x128xf32, #tpu.memory_space<vmem_shared>> -> memref<640x128xf32, #tpu.memory_space<vmem_shared>>
      tpu.enqueue_dma source(%dma_start3A_83 : memref<640x128xf32, #tpu.memory_space<vmem_shared>>) target(%dma_start3A_81 : memref<640x128xf32, #tpu.memory_space<hbm>>) target_semaphore(%run_scoped3A_78 : memref<!tpu.dma_semaphore, #tpu.memory_space<semaphore_mem>>)
      %dma_wait3A_84 = arith.constant 0 : i32
      %dma_wait3A_85 = tpu.memref_slice %arg6[%arg0, %mul3A_77, %dma_wait3A_84] : memref<2x10240x128xf32, #tpu.memory_space<hbm>> -> memref<1x640x128xf32, #tpu.memory_space<hbm>>
      %dma_wait3A_86 = tpu.memref_squeeze %dma_wait3A_85 : memref<1x640x128xf32, #tpu.memory_space<hbm>> -> memref<640x128xf32, #tpu.memory_space<hbm>>
      %dma_wait3A_87 = arith.constant 0 : i32
      %dma_wait3A_88 = tpu.memref_slice %arg12[%mul3A_77, %dma_wait3A_87] : memref<10240x128xf32, #tpu.memory_space<vmem_shared>> -> memref<640x128xf32, #tpu.memory_space<vmem_shared>>
      tpu.wait_dma2 semaphore(%run_scoped3A_78 : memref<!tpu.dma_semaphore, #tpu.memory_space<semaphore_mem>>) src(%dma_wait3A_88 : memref<640x128xf32, #tpu.memory_space<vmem_shared>>) dst(%dma_wait3A_86 : memref<640x128xf32, #tpu.memory_space<hbm>>)
      tpu.yield
    }) : () -> ()
    "tpu.region"() ({
      %run_scoped3A_78 = tpu.sem_alloc : memref<!tpu.dma_semaphore, #tpu.memory_space<semaphore_mem>>
      %dma_start3A_79 = arith.constant 0 : i32
      %dma_start3A_80 = tpu.memref_slice %arg7[%add3A, %dma_start3A_79] : memref<32x10240xf32, #tpu.memory_space<hbm>> -> memref<1x10240xf32, #tpu.memory_space<hbm>>
      %dma_start3A_81 = tpu.memref_squeeze %dma_start3A_80 : memref<1x10240xf32, #tpu.memory_space<hbm>> -> memref<10240xf32, #tpu.memory_space<hbm>>
      %dma_start3A_82 = arith.constant 0 : i32
      %dma_start3A_83 = tpu.memref_slice %arg7[%add3A, %dma_start3A_82] : memref<32x10240xf32, #tpu.memory_space<hbm>> -> memref<1x10240xf32, #tpu.memory_space<hbm>>
      %dma_start3A_84 = tpu.memref_squeeze %dma_start3A_83 : memref<1x10240xf32, #tpu.memory_space<hbm>> -> memref<10240xf32, #tpu.memory_space<hbm>>
      tpu.enqueue_dma source(%arg15 : memref<10240xf32, #tpu.memory_space<vmem>>) target(%dma_start3A_84 : memref<10240xf32, #tpu.memory_space<hbm>>) target_semaphore(%run_scoped3A_78 : memref<!tpu.dma_semaphore, #tpu.memory_space<semaphore_mem>>)
      %dma_wait3A_85 = arith.constant 0 : i32
      %dma_wait3A_86 = tpu.memref_slice %arg7[%add3A, %dma_wait3A_85] : memref<32x10240xf32, #tpu.memory_space<hbm>> -> memref<1x10240xf32, #tpu.memory_space<hbm>>
      %dma_wait3A_87 = tpu.memref_squeeze %dma_wait3A_86 : memref<1x10240xf32, #tpu.memory_space<hbm>> -> memref<10240xf32, #tpu.memory_space<hbm>>
      %dma_wait3A_88 = arith.constant 0 : i32
      %dma_wait3A_89 = tpu.memref_slice %arg7[%add3A, %dma_wait3A_88] : memref<32x10240xf32, #tpu.memory_space<hbm>> -> memref<1x10240xf32, #tpu.memory_space<hbm>>
      %dma_wait3A_90 = tpu.memref_squeeze %dma_wait3A_89 : memref<1x10240xf32, #tpu.memory_space<hbm>> -> memref<10240xf32, #tpu.memory_space<hbm>>
      tpu.wait_dma2 semaphore(%run_scoped3A_78 : memref<!tpu.dma_semaphore, #tpu.memory_space<semaphore_mem>>) src(%arg15 : memref<10240xf32, #tpu.memory_space<vmem>>) dst(%dma_wait3A_90 : memref<10240xf32, #tpu.memory_space<hbm>>)
      tpu.yield
    }) : () -> ()
    return
  }
}

module attributes {stable_mosaic.version = 14 : i64} {
  func.func @body(%arg0: i32, %arg1: memref<512x128xf32, #tpu.memory_space<vmem>>, %arg2: memref<2x512x128xf32, #tpu.memory_space<vmem>>, %arg3: memref<32x512xf32, #tpu.memory_space<vmem>>, %arg4: memref<128x128xf32, #tpu.memory_space<vmem>>, %arg5: memref<1x128xf32, #tpu.memory_space<vmem>>, %arg6: memref<128x128xf32, #tpu.memory_space<vmem>>, %arg7: memref<128x64xf32, #tpu.memory_space<vmem>>, %arg8: memref<128x64xf32, #tpu.memory_space<vmem>>, %arg9: memref<1x64xf32, #tpu.memory_space<vmem>>, %arg10: memref<512x64xf32, #tpu.memory_space<vmem>>, %arg11: memref<512x64xf32, #tpu.memory_space<vmem>>) attributes {dimension_semantics = [#tpu.dimension_semantics<arbitrary>], iteration_bounds = array<i64: 20>, scalar_prefetch = 0 : i64, scratch_operands = 0 : i64, tpu.core_type = #tpu.core_type<tc>, window_params = [{transform_indices = @transform_0, window_bounds = array<i64: 512, 128>}, {transform_indices = @transform_1, window_bounds = array<i64: 2, 512, 128>}, {transform_indices = @transform_2, window_bounds = array<i64: 32, 512>}, {pipeline_mode = #tpu.pipeline_mode<synchronous>, transform_indices = @transform_3, window_bounds = array<i64: 128, 128>}, {pipeline_mode = #tpu.pipeline_mode<synchronous>, transform_indices = @transform_4, window_bounds = array<i64: 1, 128>}, {pipeline_mode = #tpu.pipeline_mode<synchronous>, transform_indices = @transform_5, window_bounds = array<i64: 128, 128>}, {pipeline_mode = #tpu.pipeline_mode<synchronous>, transform_indices = @transform_6, window_bounds = array<i64: 128, 64>}, {pipeline_mode = #tpu.pipeline_mode<synchronous>, transform_indices = @transform_7, window_bounds = array<i64: 128, 64>}, {pipeline_mode = #tpu.pipeline_mode<synchronous>, transform_indices = @transform_8, window_bounds = array<i64: 1, 64>}, {transform_indices = @transform_9, window_bounds = array<i64: 512, 64>}, {transform_indices = @transform_10, window_bounds = array<i64: 512, 64>}]} {
    %get3A = arith.constant 0 : index
    %get3A_0 = arith.constant 0 : index
    %get3A_1 = arith.constant 0 : index
    %get3A_2 = vector.load %arg2[%get3A, %get3A_0, %get3A_1] : memref<2x512x128xf32, #tpu.memory_space<vmem>>, vector<1x512x128xf32>
    %get3A_3 = vector.shape_cast %get3A_2 : vector<1x512x128xf32> to vector<512x128xf32>
    %get3A_4 = arith.constant 1 : index
    %get3A_5 = arith.constant 0 : index
    %get3A_6 = arith.constant 0 : index
    %get3A_7 = vector.load %arg2[%get3A_4, %get3A_5, %get3A_6] : memref<2x512x128xf32, #tpu.memory_space<vmem>>, vector<1x512x128xf32>
    %get3A_8 = vector.shape_cast %get3A_7 : vector<1x512x128xf32> to vector<512x128xf32>
    %add3A = arith.addf %get3A_3, %get3A_8 : vector<512x128xf32>
    %get3A_9 = arith.constant 0 : index
    %get3A_10 = arith.constant 0 : index
    %get3A_11 = vector.load %arg3[%get3A_9, %get3A_10] : memref<32x512xf32, #tpu.memory_space<vmem>>, vector<32x512xf32>
    %broadcast_in_dim3A = arith.constant 1.000000e+00 : f32
    %broadcast_in_dim3A_12 = vector.broadcast %broadcast_in_dim3A : f32 to vector<32x1xf32>
    %dot_general3A = arith.constant dense<0.000000e+00> : vector<512x1xf32>
    %dot_general3A_13 = tpu.matmul %get3A_11, %broadcast_in_dim3A_12, %dot_general3A {dimension_numbers = #tpu.dot_dimension_numbers<[0], [0], [1], [1], [0, 1, 1, 1], [], []>, transpose_lhs_hint = false} : vector<32x512xf32>, vector<32x1xf32>, vector<512x1xf32> -> vector<512x1xf32>
    %max3A = arith.constant 1.000000e+00 : f32
    %max3A_14 = vector.broadcast %max3A : f32 to vector<512x1xf32>
    %max3A_15 = arith.maximumf %dot_general3A_13, %max3A_14 : vector<512x1xf32>
    %div3A = arith.constant 1.000000e+00 : f32
    %div3A_16 = vector.broadcast %div3A : f32 to vector<512x1xf32>
    %div3A_17 = arith.divf %div3A_16, %max3A_15 : vector<512x1xf32>
    %mul3A = vector.broadcast %div3A_17 : vector<512x1xf32> to vector<512x128xf32>
    %mul3A_18 = arith.mulf %add3A, %mul3A : vector<512x128xf32>
    %get3A_19 = arith.constant 0 : index
    %get3A_20 = arith.constant 0 : index
    %get3A_21 = vector.load %arg6[%get3A_19, %get3A_20] : memref<128x128xf32, #tpu.memory_space<vmem>>, vector<128x128xf32>
    %dot_general3A_22 = arith.constant dense<0.000000e+00> : vector<512x128xf32>
    %dot_general3A_23 = tpu.matmul %mul3A_18, %get3A_21, %dot_general3A_22 {dimension_numbers = #tpu.dot_dimension_numbers<[1], [0], [0], [1], [0, 0, 1, 1], [], []>, transpose_lhs_hint = false} : vector<512x128xf32>, vector<128x128xf32>, vector<512x128xf32> -> vector<512x128xf32>
    %get3A_24 = arith.constant 0 : index
    %get3A_25 = arith.constant 0 : index
    %get3A_26 = vector.load %arg1[%get3A_24, %get3A_25] : memref<512x128xf32, #tpu.memory_space<vmem>>, vector<512x128xf32>
    %get3A_27 = arith.constant 0 : index
    %get3A_28 = arith.constant 0 : index
    %get3A_29 = vector.load %arg4[%get3A_27, %get3A_28] : memref<128x128xf32, #tpu.memory_space<vmem>>, vector<128x128xf32>
    %dot_general3A_30 = arith.constant dense<0.000000e+00> : vector<512x128xf32>
    %dot_general3A_31 = tpu.matmul %get3A_26, %get3A_29, %dot_general3A_30 {dimension_numbers = #tpu.dot_dimension_numbers<[1], [0], [0], [1], [0, 0, 1, 1], [], []>, transpose_lhs_hint = false} : vector<512x128xf32>, vector<128x128xf32>, vector<512x128xf32> -> vector<512x128xf32>
    %add3A_32 = arith.addf %dot_general3A_31, %dot_general3A_23 : vector<512x128xf32>
    %get3A_33 = arith.constant 0 : index
    %get3A_34 = arith.constant 0 : index
    %get3A_35 = vector.load %arg5[%get3A_33, %get3A_34] : memref<1x128xf32, #tpu.memory_space<vmem>>, vector<1x128xf32>
    %add3A_36 = vector.broadcast %get3A_35 : vector<1x128xf32> to vector<512x128xf32>
    %add3A_37 = arith.addf %add3A_32, %add3A_36 : vector<512x128xf32>
    %max3A_38 = arith.constant 0.000000e+00 : f32
    %max3A_39 = vector.broadcast %max3A_38 : f32 to vector<512x128xf32>
    %max3A_40 = arith.maximumf %add3A_37, %max3A_39 : vector<512x128xf32>
    %get3A_41 = arith.constant 0 : index
    %get3A_42 = arith.constant 0 : index
    %get3A_43 = vector.load %arg7[%get3A_41, %get3A_42] : memref<128x64xf32, #tpu.memory_space<vmem>>, vector<128x64xf32>
    %dot_general3A_44 = arith.constant dense<0.000000e+00> : vector<512x64xf32>
    %dot_general3A_45 = tpu.matmul %max3A_40, %get3A_43, %dot_general3A_44 {dimension_numbers = #tpu.dot_dimension_numbers<[1], [0], [0], [1], [0, 0, 1, 1], [], []>, transpose_lhs_hint = false} : vector<512x128xf32>, vector<128x64xf32>, vector<512x64xf32> -> vector<512x64xf32>
    %swap3A = arith.constant 0 : index
    %swap3A_46 = arith.constant 0 : index
    %swap3A_47 = vector.load %arg10[%swap3A, %swap3A_46] : memref<512x64xf32, #tpu.memory_space<vmem>>, vector<512x64xf32>
    tpu.vector_store %arg10[%swap3A, %swap3A_46], %dot_general3A_45 {strides = array<i32>} : memref<512x64xf32, #tpu.memory_space<vmem>>, vector<512x64xf32>,
    %get3A_48 = arith.constant 0 : index
    %get3A_49 = arith.constant 0 : index
    %get3A_50 = vector.load %arg8[%get3A_48, %get3A_49] : memref<128x64xf32, #tpu.memory_space<vmem>>, vector<128x64xf32>
    %dot_general3A_51 = arith.constant dense<0.000000e+00> : vector<512x64xf32>
    %dot_general3A_52 = tpu.matmul %max3A_40, %get3A_50, %dot_general3A_51 {dimension_numbers = #tpu.dot_dimension_numbers<[1], [0], [0], [1], [0, 0, 1, 1], [], []>, transpose_lhs_hint = false} : vector<512x128xf32>, vector<128x64xf32>, vector<512x64xf32> -> vector<512x64xf32>
    %get3A_53 = arith.constant 0 : index
    %get3A_54 = arith.constant 0 : index
    %get3A_55 = vector.load %arg9[%get3A_53, %get3A_54] : memref<1x64xf32, #tpu.memory_space<vmem>>, vector<1x64xf32>
    %add3A_56 = vector.broadcast %get3A_55 : vector<1x64xf32> to vector<512x64xf32>
    %add3A_57 = arith.addf %dot_general3A_52, %add3A_56 : vector<512x64xf32>
    %swap3A_58 = arith.constant 0 : index
    %swap3A_59 = arith.constant 0 : index
    %swap3A_60 = vector.load %arg11[%swap3A_58, %swap3A_59] : memref<512x64xf32, #tpu.memory_space<vmem>>, vector<512x64xf32>
    tpu.vector_store %arg11[%swap3A_58, %swap3A_59], %add3A_57 {strides = array<i32>} : memref<512x64xf32, #tpu.memory_space<vmem>>, vector<512x64xf32>,
    return
  }
  func.func @transform_0(%arg0: i32) -> (i32, i32) {
    %c0_i32 = arith.constant 0 : i32
    %c0_i32_0 = arith.constant 0 : i32
    return %arg0, %c0_i32 : i32, i32
  }
  func.func @transform_1(%arg0: i32) -> (i32, i32, i32) {
    %c0_i32 = arith.constant 0 : i32
    %c0_i32_0 = arith.constant 0 : i32
    %c0_i32_1 = arith.constant 0 : i32
    return %c0_i32, %arg0, %c0_i32_0 : i32, i32, i32
  }
  func.func @transform_2(%arg0: i32) -> (i32, i32) {
    %c0_i32 = arith.constant 0 : i32
    %c0_i32_0 = arith.constant 0 : i32
    return %c0_i32, %arg0 : i32, i32
  }
  func.func @transform_3(%arg0: i32) -> (i32, i32) {
    %c0_i32 = arith.constant 0 : i32
    %c0_i32_0 = arith.constant 0 : i32
    %c0_i32_1 = arith.constant 0 : i32
    return %c0_i32, %c0_i32_0 : i32, i32
  }
  func.func @transform_4(%arg0: i32) -> (i32, i32) {
    %c0_i32 = arith.constant 0 : i32
    %c0_i32_0 = arith.constant 0 : i32
    %c0_i32_1 = arith.constant 0 : i32
    return %c0_i32, %c0_i32_0 : i32, i32
  }
  func.func @transform_5(%arg0: i32) -> (i32, i32) {
    %c0_i32 = arith.constant 0 : i32
    %c0_i32_0 = arith.constant 0 : i32
    %c0_i32_1 = arith.constant 0 : i32
    return %c0_i32, %c0_i32_0 : i32, i32
  }
  func.func @transform_6(%arg0: i32) -> (i32, i32) {
    %c0_i32 = arith.constant 0 : i32
    %c0_i32_0 = arith.constant 0 : i32
    %c0_i32_1 = arith.constant 0 : i32
    return %c0_i32, %c0_i32_0 : i32, i32
  }
  func.func @transform_7(%arg0: i32) -> (i32, i32) {
    %c0_i32 = arith.constant 0 : i32
    %c0_i32_0 = arith.constant 0 : i32
    %c0_i32_1 = arith.constant 0 : i32
    return %c0_i32, %c0_i32_0 : i32, i32
  }
  func.func @transform_8(%arg0: i32) -> (i32, i32) {
    %c0_i32 = arith.constant 0 : i32
    %c0_i32_0 = arith.constant 0 : i32
    %c0_i32_1 = arith.constant 0 : i32
    return %c0_i32, %c0_i32_0 : i32, i32
  }
  func.func @transform_9(%arg0: i32) -> (i32, i32) {
    %c0_i32 = arith.constant 0 : i32
    %c0_i32_0 = arith.constant 0 : i32
    return %arg0, %c0_i32 : i32, i32
  }
  func.func @transform_10(%arg0: i32) -> (i32, i32) {
    %c0_i32 = arith.constant 0 : i32
    %c0_i32_0 = arith.constant 0 : i32
    return %arg0, %c0_i32 : i32, i32
  }
}

module attributes {stable_mosaic.version = 14 : i64} {
  func.func @body(%arg0: i32, %arg1: memref<512x64xf32, #tpu.memory_space<vmem>>, %arg2: memref<2x512x64xf32, #tpu.memory_space<vmem>>, %arg3: memref<32x512xf32, #tpu.memory_space<vmem>>, %arg4: memref<512x64xf32, #tpu.memory_space<vmem>>) attributes {dimension_semantics = [#tpu.dimension_semantics<arbitrary>], iteration_bounds = array<i64: 20>, scalar_prefetch = 0 : i64, scratch_operands = 0 : i64, tpu.core_type = #tpu.core_type<tc>, window_params = [{transform_indices = @transform_0, window_bounds = array<i64: 512, 64>}, {transform_indices = @transform_1, window_bounds = array<i64: 2, 512, 64>}, {transform_indices = @transform_2, window_bounds = array<i64: 32, 512>}, {transform_indices = @transform_3, window_bounds = array<i64: 512, 64>}]} {
    %get3A = arith.constant 0 : index
    %get3A_0 = arith.constant 0 : index
    %get3A_1 = arith.constant 0 : index
    %get3A_2 = vector.load %arg2[%get3A, %get3A_0, %get3A_1] : memref<2x512x64xf32, #tpu.memory_space<vmem>>, vector<1x512x64xf32>
    %get3A_3 = vector.shape_cast %get3A_2 : vector<1x512x64xf32> to vector<512x64xf32>
    %get3A_4 = arith.constant 1 : index
    %get3A_5 = arith.constant 0 : index
    %get3A_6 = arith.constant 0 : index
    %get3A_7 = vector.load %arg2[%get3A_4, %get3A_5, %get3A_6] : memref<2x512x64xf32, #tpu.memory_space<vmem>>, vector<1x512x64xf32>
    %get3A_8 = vector.shape_cast %get3A_7 : vector<1x512x64xf32> to vector<512x64xf32>
    %add3A = arith.addf %get3A_3, %get3A_8 : vector<512x64xf32>
    %get3A_9 = arith.constant 0 : index
    %get3A_10 = arith.constant 0 : index
    %get3A_11 = vector.load %arg3[%get3A_9, %get3A_10] : memref<32x512xf32, #tpu.memory_space<vmem>>, vector<32x512xf32>
    %broadcast_in_dim3A = arith.constant 1.000000e+00 : f32
    %broadcast_in_dim3A_12 = vector.broadcast %broadcast_in_dim3A : f32 to vector<32x1xf32>
    %dot_general3A = arith.constant dense<0.000000e+00> : vector<512x1xf32>
    %dot_general3A_13 = tpu.matmul %get3A_11, %broadcast_in_dim3A_12, %dot_general3A {dimension_numbers = #tpu.dot_dimension_numbers<[0], [0], [1], [1], [0, 1, 1, 1], [], []>, transpose_lhs_hint = false} : vector<32x512xf32>, vector<32x1xf32>, vector<512x1xf32> -> vector<512x1xf32>
    %max3A = arith.constant 1.000000e+00 : f32
    %max3A_14 = vector.broadcast %max3A : f32 to vector<512x1xf32>
    %max3A_15 = arith.maximumf %dot_general3A_13, %max3A_14 : vector<512x1xf32>
    %div3A = arith.constant 1.000000e+00 : f32
    %div3A_16 = vector.broadcast %div3A : f32 to vector<512x1xf32>
    %div3A_17 = arith.divf %div3A_16, %max3A_15 : vector<512x1xf32>
    %get3A_18 = arith.constant 0 : index
    %get3A_19 = arith.constant 0 : index
    %get3A_20 = vector.load %arg1[%get3A_18, %get3A_19] : memref<512x64xf32, #tpu.memory_space<vmem>>, vector<512x64xf32>
    %mul3A = vector.broadcast %div3A_17 : vector<512x1xf32> to vector<512x64xf32>
    %mul3A_21 = arith.mulf %add3A, %mul3A : vector<512x64xf32>
    %add3A_22 = arith.addf %get3A_20, %mul3A_21 : vector<512x64xf32>
    %swap3A = arith.constant 0 : index
    %swap3A_23 = arith.constant 0 : index
    %swap3A_24 = vector.load %arg4[%swap3A, %swap3A_23] : memref<512x64xf32, #tpu.memory_space<vmem>>, vector<512x64xf32>
    tpu.vector_store %arg4[%swap3A, %swap3A_23], %add3A_22 {strides = array<i32>} : memref<512x64xf32, #tpu.memory_space<vmem>>, vector<512x64xf32>,
    return
  }
  func.func @transform_0(%arg0: i32) -> (i32, i32) {
    %c0_i32 = arith.constant 0 : i32
    %c0_i32_0 = arith.constant 0 : i32
    return %arg0, %c0_i32 : i32, i32
  }
  func.func @transform_1(%arg0: i32) -> (i32, i32, i32) {
    %c0_i32 = arith.constant 0 : i32
    %c0_i32_0 = arith.constant 0 : i32
    %c0_i32_1 = arith.constant 0 : i32
    return %c0_i32, %arg0, %c0_i32_0 : i32, i32, i32
  }
  func.func @transform_2(%arg0: i32) -> (i32, i32) {
    %c0_i32 = arith.constant 0 : i32
    %c0_i32_0 = arith.constant 0 : i32
    return %c0_i32, %arg0 : i32, i32
  }
  func.func @transform_3(%arg0: i32) -> (i32, i32) {
    %c0_i32 = arith.constant 0 : i32
    %c0_i32_0 = arith.constant 0 : i32
    return %arg0, %c0_i32 : i32, i32
  }
}

</mosaic_0001>

<sc_bundles>
// kernel: kernel.6.cloned.1.call-start
scs
__scs_entry_jumppad:
0x0: {  	(pc) =	sbr.rel $0x88, $3  }
0x1: {  	(tag) =	ssettag $0x0;
	lr =	simm.s32 $0x1  }
0x2: {  	[smem:$0x3F99] =	sst lr;
	_ =	strace $0xD0000000  }
0x3: {  	_ = 	snop  }
0x4: {  	_ = 	snop  }
0x5: {  	_ = 	snop  }
0x6: {  	_ = 	snop  }
0x7: {  	_ = 	snop  }
__scs_overlays_trampoline_lowered:
0x8: {  	[smem:$0x3FA8] =	sst s0  }
0x9: {  	[smem:$0x3FA9] =	sst s1  }
0xa: {  	[smem:$0x3FAA] =	sst s2  }
0xb: {  	[smem:$0x3FAB] =	sst s3  }
0xc: {  	[smem:$0x3FAC] =	sst s4  }
0xd: {  	[smem:$0x3FAD] =	sst s5  }
0xe: {  	[smem:$0x3FAE] =	sst s6  }
0xf: {  	[smem:$0x3FAF] =	sst s7  }
0x10: {  	[smem:$0x3FB0] =	sst s8  }
0x11: {  	[smem:$0x3FB1] =	sst s9;
	s0 =	simm.s32 @!p0 $0x0  }
0x12: {  	s1 =	sld [smem:$0x3F97];
	s0 =	simm.s32 @p0 $0x1  }
0x13: {  	[smem:$0x3FB2] =	sst s0;
	s0 =	simm.s32 @!p1 $0x0  }
0x14: {  	s2 =	sld [smem:$0x3F96];
	s0 =	simm.s32 @p1 $0x1  }
0x15: {  	[smem:$0x3FB3] =	sst s0;
	s0 =	simm.s32 @!p2 $0x0  }
0x16: {  	s3 =	sld [smem:$0x3FDB];
	s0 =	simm.s32 @p2 $0x1  }
0x17: {  	s4 =	simm.s32 $0x1BF5;
	[smem:$0x3FB5] =	sst s0  }
0x18: {  	s0 =	sld [smem:$0x3F98];
	_ =	swait.ge [sflag:s4], $0x0  }
0x19: {  	s7 =	sld [smem:$0x3F99]  }
0x1a: {  	s8 =	sadd.s32 $0xFFFFE003, lr  }
0x1b: {  	s9 =	sadd.s32 $0xFFFFFEF7, lr;
	s5 =	simm.s32 $0xFFFFFFFF;
	p2 =	slt.u32 s8, $0xFFFFF086  }
0x1c: {  	p1 =	slt.u32 s9, $0xF7A;
	s5 =	simm.s32 @!p2 $0x0  }
0x1d: {  	s5 =	simm.s32 @p1 $0x1;
	p0 =	seq.s32 s7, s2  }
0x1e: {  	s7 =	smul.u32 @!p0 $0xF7A, s2;
	p2 =	seq.s32 @!p0 s5, $0x0  }
0x1f: {  	s9 =	smul.u32 $0xF7A, s1;
	s8 =	simm.s32 @!p0 $0x1BF5;
	p2 =	por !p2, p0  }
0x20: {  	[sflag:s8] =	ssyncset.s32 @!p0 $0xFFFFF086;
	s6 =	sadd.s32 @!p0 s3, s7;
	s7 =	simm.s32 @!p0 $0x108  }
0x21: {  	s3 =	sadd.s32 s3, s9;
	s6 =	sadd.s32 @!p0 $0x88, s6;
	s7 =	simm.s32 @p2 $0x1082  }
0x22: {  	[simem:s7], [sflag:s8] =	dma.local @!p0 [hbm:s6], $0xF7A  }
0x23: {  	s9 =	sor.u32 $0xD0000000, s2;
	s6 =	simm.s32 $0x108;
	_ =	swait.ge @!p0 [sflag:s8], $0x0  }
0x24: {  	s3 =	sadd.s32 $0x88, s3;
	s6 =	simm.s32 @!p1 $0x1082;
	[sflag:s4] =	ssyncset.s32 $0xFFFFF086  }
0x25: {  	[simem:s6], [sflag:s4] =	dma.local [hbm:s3], $0xF7A  }
0x26: {  	[smem:$0x3F99] =	sst s1;
	(tag) =	ssettag s2;
	_ =	strace s9  }
0x27: {  	s1 =	sld [smem:$0x3FA9]  }
0x28: {  	s2 =	sld [smem:$0x3FAA]  }
0x29: {  	s4 =	sld [smem:$0x3FAC]  }
0x2a: {  	p0 =	seq.s32 s5, $0x0;
	s5 =	sld [smem:$0x3FAD]  }
0x2b: {  	s6 =	sld [smem:$0x3FAE]  }
0x2c: {  	s7 =	sld [smem:$0x3FAF]  }
0x2d: {  	s3 =	simm.s32 $0x108;
	s8 =	sld [smem:$0x3FB0]  }
0x2e: {  	s3 =	simm.s32 @!p0 $0x1082;
	s9 =	sld [smem:$0x3FB1]  }
0x2f: {  	lr =	sadd.s32 s0, s3;
	s0 =	sld [smem:$0x3FA8]  }
0x30: {  	s3 =	sld [smem:$0x3FAB]  }
0x31: {  	[smem:$0x3FB4] =	sst s10  }
0x32: {  	s10 =	sld [smem:$0x3FB2];
	_ =	sdelay $0x3  }
0x33: {  	p0 =	seq.s32 s10, $0x1;
	s10 =	sld [smem:$0x3FB4];
	_ =	sdelay $0x3  }
0x34: {  	[smem:$0x3FB4] =	sst s10  }
0x35: {  	s10 =	sld [smem:$0x3FB3];
	_ =	sdelay $0x3  }
0x36: {  	p1 =	seq.s32 s10, $0x1;
	s10 =	sld [smem:$0x3FB4];
	_ =	sdelay $0x3  }
0x37: {  	[smem:$0x3FB4] =	sst s10  }
0x38: {  	s10 =	sld [smem:$0x3FB5]  }
0x39: {  	_ = 	snop;
	(pc) =	sbr.ind lr, $3  }
0x3a: {  	_ = 	snop  }
0x3b: {  	_ = 	snop  }
0x3c: {  	p2 =	seq.s32 s10, $0x1;
	s10 =	sld [smem:$0x3FB4]  }
0x3d: {  	_ =	shalt  }
0x3e: {  	_ =	shalt  }
0x3f: {  	_ =	shalt  }
0x40: {  	_ =	shalt  }
0x41: {  	_ =	shalt  }
0x42: {  	_ =	shalt  }
0x43: {  	_ =	shalt  }
0x44: {  	_ =	shalt  }
0x45: {  	_ =	shalt  }
0x46: {  	_ =	shalt  }
0x47: {  	_ =	shalt  }
0x48: {  	_ =	shalt  }
0x49: {  	_ =	shalt  }
0x4a: {  	_ =	shalt  }
0x4b: {  	_ =	shalt  }
0x4c: {  	_ =	shalt  }
0x4d: {  	_ =	shalt  }
0x4e: {  	_ =	shalt  }
0x4f: {  	_ =	shalt  }
0x50: {  	_ =	shalt  }
0x51: {  	_ =	shalt  }
0x52: {  	_ =	shalt  }
0x53: {  	_ =	shalt  }
0x54: {  	_ =	shalt  }
0x55: {  	_ =	shalt  }
0x56: {  	_ =	shalt  }
0x57: {  	_ =	shalt  }
0x58: {  	_ =	shalt  }
0x59: {  	_ =	shalt  }
0x5a: {  	_ =	shalt  }
0x5b: {  	_ =	shalt  }
0x5c: {  	_ =	shalt  }
0x5d: {  	_ =	shalt  }
0x5e: {  	_ =	shalt  }
0x5f: {  	_ =	shalt  }
0x60: {  	_ =	shalt  }
0x61: {  	_ =	shalt  }
0x62: {  	_ =	shalt  }
0x63: {  	_ =	shalt  }
0x64: {  	_ =	shalt  }
0x65: {  	_ =	shalt  }
0x66: {  	_ =	shalt  }
0x67: {  	_ =	shalt  }
0x68: {  	_ =	shalt  }
0x69: {  	_ =	shalt  }
0x6a: {  	_ =	shalt  }
0x6b: {  	_ =	shalt  }
0x6c: {  	_ =	shalt  }
0x6d: {  	_ =	shalt  }
0x6e: {  	_ =	shalt  }
0x6f: {  	_ =	shalt  }
0x70: {  	_ =	shalt  }
0x71: {  	_ =	shalt  }
0x72: {  	_ =	shalt  }
0x73: {  	_ =	shalt  }
0x74: {  	_ =	shalt  }
0x75: {  	_ =	shalt  }
0x76: {  	_ =	shalt  }
0x77: {  	_ =	shalt  }
0x78: {  	_ =	shalt  }
0x79: {  	_ =	shalt  }
0x7a: {  	_ =	shalt  }
0x7b: {  	_ =	shalt  }
0x7c: {  	_ =	shalt  }
0x7d: {  	_ =	shalt  }
0x7e: {  	_ =	shalt  }
0x7f: {  	_ =	shalt  }
0x80: {  	_ =	shalt  }
0x81: {  	_ =	shalt  }
0x82: {  	_ =	shalt  }
0x83: {  	_ =	shalt  }
0x84: {  	_ =	shalt  }
0x85: {  	_ =	shalt  }
0x86: {  	_ =	shalt  }
0x87: {  	_ =	shalt  }
.Lfunc_end0:
.L_simem_size_0:
called_computation_lowered:
.L_overlay_start_0:
0x88: {  	s2 =	sld [smem:$0x3FD9]  }
0x89: {  	s3 =	sld [smem:$0x3FFE];
	_ =	sdelay $0x1  }
0x8a: {  	s1 =	srdreg.scid  }
0x8b: {  	s0 =	sand.u32 $0x1, s1  }
0x8c: {  	s17 =	sshll.u32 s0, $0xA;
	s2 =	sadd.s32 s3, s2  }
0x8d: {  	s2 =	sadd.s32 s2, s17  }
0x8e: {  	[smem:$0x3FC0] =	sst s2  }
0x8f: {  	_ = 	snop  }
0x90: {  	s2 =	sld [smem:$0x3FC9]  }
0x91: {  	s18 =	sld [smem:$0x3FD0];
	(tm) =	ssettm $0x1  }
0x92: {  	s4 =	sld [smem:$0x3FFB];
	_ =	sdelay $0x3  }
0x93: {  	_ =	strace s4  }
0x94: {  	s4 =	sld [smem:$0x3FFC];
	_ =	sdelay $0x3  }
0x95: {  	_ =	strace s4  }
0x96: {  	s4 =	sld [smem:$0x3FFD];
	_ =	sdelay $0x3  }
0x97: {  	_ =	strace s4  }
0x98: {  	_ =	strace $0x8FFFFFFF  }
0x99: {  	s19 =	sld [smem:$0x3FDB];
	_ =	sdelay $0x1  }
0x9a: {  	s5 =	simm.s32 $_scs_section_size  }
0x9b: {  	s6 =	simm.s32 $_size__tile_overlayer_lowered;
	s7 =	simm.s32 $_tile_overlayer_lowered  }
0x9c: {  	s22 =	simm.s32 $0x1BFF;
	s21 =	sshll.u32 s7, $0x1;
	s4 =	sadd.s32 s5, s19  }
0x9d: {  	s8 =	simm.s32 $0x0;
	s20 =	sshll.u32 s6, $0x1;
	s6 =	sadd.s32 s21, s4  }
0x9e: {  	[timem:s8], [sflag:s22] =	dma.local [hbm:s6], s20  }
0x9f: {  	_ =	swait.ge [sflag:s22], s20  }
0xa0: {  	s5 =	ssub.s32 $0x0, s20;
	[sflag:s22] =	ssyncset.done $0x0  }
0xa1: {  	[sflag:s22] =	ssyncadd.s32 s5;
	_ =	sdelay $0x1  }
0xa2: {  	s23 =	simm.s32 $0x1B8B  }
0xa3: {  	_ =	swait.ge [sflag:s23], $0x1  }
0xa4: {  	[sflag:s23] =	ssyncset.done $0x0  }
0xa5: {  	s25 =	simm.s32 $0x1B8E;
	s24 =	sld [smem:$0x3FFE];
	[sflag:s23] =	ssyncadd.s32 $0xFFFFFFFF  }
0xa6: {  	s26 =	simm.s32 $execute0_lowered;
	[smem:$0x3FD2] =	sst s25  }
0xa7: {  	s6 =	sshll.u32 s26, $0x1;
	_ =	strace $0x80000046;
	[dreg:$0x1] =	wrdreg $0xFFFFFFFF  }
0xa8: {  	s28 =	simm.s32 $_size_execute0_lowered;
	s4 =	sadd.s32 s4, s6;
	[dreg:$0x0] =	wrdreg $0x0  }
0xa9: {  	s6 =	sshll.u32 s28, $0x1;
	[dreg:$0x2] =	wrdreg s4  }
0xaa: {  	[dreg:$0x3] =	wrdreg s6  }
0xab: {  	[dreg:$0x4] =	wrdreg $0xC0  }
0xac: {  	_ =	task [dreg:s8], $0x5FFFF  }
0xad: {  	[dreg:$0x1] =	wrdreg $0xFFFFFFFF  }
0xae: {  	[dreg:$0x0] =	wrdreg $0x60  }
0xaf: {  	[dreg:$0x2] =	wrdreg s2  }
0xb0: {  	[dreg:$0x3] =	wrdreg s24  }
0xb1: {  	[dreg:$0x4] =	wrdreg s18  }
0xb2: {  	[dreg:$0x5] =	wrdreg $0x90000  }
0xb3: {  	[dreg:$0x6] =	wrdreg $0x9  }
0xb4: {  	_ =	task.clear_ibuf [dreg:s8], $0x7FFFF;
	_ =	strace $0x90000046  }
0xb5: {  	s29 =	simm.s32 $0x9;
	_ =	strace $0x80000048  }
0xb6: {  	_ =	swait.ge [sflag:s29], $0x1  }
0xb7: {  	[sflag:s29] =	ssyncadd.s32 $0xFFFFFFFF  }
0xb8: {  	_ =	strace $0x90000048  }
0xb9: {  	_ =	sfence  }
0xba: {  	s30 =	sld [smem:$0x0];
	_ =	sdelay $0x2  }
0xbb: {  	s31 =	sshll.u32 s1, $0xD;
	s1 =	sshrl.u32 s1, $0x2  }
0xbc: {  	s3 =	sand.u32 $0x4000, s31;
	s1 =	sadd.s32 s1, s30  }
0xbd: {  	s0 =	sor.u32 s3, s0;
	s1 =	sshll.u32 s1, $0x11  }
0xbe: {  	s0 =	sor.u32 s1, s0  }
0xbf: {  	s0 =	sadd.s32 $0x8F2B, s0  }
0xc0: {  	[sflag:s0] =	ssyncadd.remote.s32 $0x1  }
0xc1: {  	_ =	sfence.sel $0xFFFF  }
0xc2: {  	[dreg:$0x0] =	wrdreg $0xFFFFFFFF;
	(pc) =	sbr.abs _section_cstart, $3  }
0xc3: {  	[dreg:$0x1] =	wrdreg $0xFFFFFFFF  }
0xc4: {  	_ =	task.clear_ibuf [dreg:s8], $0x2FFFF;
	_ =	strace $0x9FFFFFFF  }
0xc5: {  	(tm) =	ssettm $0x7FFFFFFF  }
tec
execute0_lowered:
.L_overlay_start_1:
0x0: {  	(tag) =	ssettag $0x1  }
0x1: {  	s0 =	rddreg [dreg:$0x0]  }
0x2: {  	s6 =	rddreg [dreg:$0x1]  }
0x3: {  	s10 =	rddreg [dreg:$0x2]  }
0x4: {  	s1 =	srdreg.scid;
	s3 =	rddreg [dreg:$0x3]  }
0x5: {  	s2 =	stileid.u32;
	s4 =	simm.s32 $0x0;
	s15 =	simm.s32 $0x40  }
0x6: {  	s16 =	simm.s32 $0x5000;
	s17 =	simm.s32 $0x7000;
	s18 =	simm.s32 $0x1  }
0x7: {  	s19 =	simm.s32 $0x1D000;
	s20 =	simm.s32 $0x2;
	s21 =	simm.s32 $0x4F80  }
0x8: {  	s22 =	simm.s32 $0x4FC0;
	s5 =	sand.u32 $0x1, s1;
	s1 =	rddreg [dreg:$0x4]  }
0x9: {  	s23 =	simm.s32 $0x0;
	s8 =	smul.u32 $0x14000, s2;
	[smem:$0x7FF] =	sst s4  }
0xa: {  	s31 =	sshll.u32 s2, $0x6;
	s7 =	sshll.u32 s5, $0x4;
	s9 =	smul.u32 $0x140000, s5  }
0xb: {  	_ =	strace $0x80000047;
	s12 =	ssub.s32 $0x2, s5;
	s7 =	sor.u32 s2, s7  }
0xc: {  	s5 =	sadd.s32 $0x15A00, s6;
	s11 =	smul.u32 $0x500, s7;
	s28 =	sadd.s32 s8, s9  }
0xd: {  	s30 =	sshrl.u32 s12, $0x1;
	s14 =	sadd.s32 s8, s3;
	s7 =	sshrl.u32 s28, $0x3  }
0xe: {  	s12 =	ssub.s32 s12, s30;
	s29 =	sadd.s32 s11, s6;
	s13 =	sadd.s32 s7, s6  }
0xf: {  	s6 =	sor.u32 $0x1C03, s31;
	s10 =	sadd.s32 s10, s11;
	s11 =	smax.u32 s12, $0x1  }
0x10: {  	s12 =	sshrl.u32 s14, $0x3;
	s14 =	simm.s32 $0x2800;
	s7 =	sadd.s32 $0xBA00, s29  }
0x11: {  	v0 =	vimm.f32 $0.0e+00;
	v1 =	vimm.f32 $1.000000000e+00;
	s8 =	sadd.s32 $0x1A00, s29;
	s9 =	sadd.s32 $0x18200, s13;
	s13 =	simm.s32 $0x3  }
.LBB2_1:
0x12: {  	[spmem:s12], [sflag:s6] =	dma.local [hbm:s5], $0x2800  }
0x13: {  	_ =	swait.ge [sflag:s13], $0x2800  }
0x14: {  	[sflag:s13] =	ssyncset.done $0x0  }
0x15: {  	s24 =	simm.s32 $0x40;
	s25 =	simm.s32 $0x0;
	[sflag:s13] =	ssyncadd.s32 $0xFFFFD800  }
.LBB2_2:
0x16: {  	p0 =	sne.s32 s24, $0x9FC0;
	[tilespmem:s25+$0x1D000] =	vst v0;
	s25 =	smov.u32 s24;
	s24 =	sadd.s32 $0x40, s24  }
.Ltmp0:
0x17: {  	(pc) =	sbr.rel @p0 .LBB2_2-.Ltmp0, $2  }
0x18: {  	_ =	sdelay $0x2  }
0x19: {  	s25 =	sshra.s32 s25, $0x2  }
0x1a: {  	[tilespmem:s25+$0x1D000] =	vst v0;
	s24 =	simm.s32 $0x0  }
0x1b: {  	[tilespmem:s24], [sflag:$0x3] =	stream.linear.gather [hbm4b:s7+s24], $0x2800, $0x38;
	[tilespmem:$0x1F800] =	vst v63  }
0x1c: {  	_ =	swait.ge [sflag:s13], $0x2800  }
0x1d: {  	[sflag:s13] =	ssyncset.done $0x0  }
0x1e: {  	[sflag:s13] =	ssyncadd.s32 $0xFFFFD800  }
0x1f: {  	[tilespmem:s14], [sflag:$0x3] =	stream.linear.gather [hbm4b:s8+s24], $0x2800, $0x38;
	[tilespmem:$0x1F800] =	vst v63  }
0x20: {  	_ =	swait.ge [sflag:s13], $0x2800  }
0x21: {  	[sflag:s13] =	ssyncset.done $0x0  }
0x22: {  	[sflag:s13] =	ssyncadd.s32 $0xFFFFD800  }
0x23: {  	[bflag:$0x0] =	sbarrier.arrive $0xFFFF  }
0x24: {  	[tilespmem:s16], [sflag:$0x1] =	stream.indirect.gather [hbm4b:s0+s15], $0x80, s24, s15, $0xb8;
	[tilespmem:$0x1F800] =	vst v63  }
0x25: {  	_ = 	snop  }
0x26: {  	[tilespmem:s17], [sflag:$0x2] =	stream.indirect.gather [hbm4b:s0+s15], $0x80, s15, s15, $0xb8;
	[tilespmem:$0x1F800] =	vst v63  }
.LBB2_4:
0x27: {  	_ =	swait.ge [sflag:s18], $0x2000  }
0x28: {  	s25 =	sshra.s32 s24, $0x2;
	[sflag:s18] =	ssyncset.done $0x0  }
0x29: {  	s26 =	sadd.s32 $0x2800, s25;
	[sflag:s18] =	ssyncadd.s32 $0xFFFFE000  }
0x2a: {  	[spmem:s3] =	stream.indirect.scatter.add.f32 [tilespmem:s16], [sflag:$0x3], $0x80, s26, s15, $0xb8;
	[tilespmem:$0x1F800] =	vst v63  }
0x2b: {  	_ =	swait.ge [sflag:s13], $0x2000  }
0x2c: {  	[sflag:s13] =	ssyncset.done $0x0  }
0x2d: {  	[sflag:s13] =	ssyncadd.s32 $0xFFFFE000  }
0x2e: {  	v2 =	vld [tilespmem:s25+$0x2800];
	_ =	sdelay $0x7  }
0x2f: {  	[tilespmem:v2+s19+$0x0] =	vst.idx.add.f32.msk $0xffff, v1  }
0x30: {  	v2 =	vld [tilespmem:s25+$0x2810];
	_ =	sdelay $0x7  }
0x31: {  	[tilespmem:v2+s19+$0x0] =	vst.idx.add.f32.msk $0xffff, v1  }
0x32: {  	v2 =	vld [tilespmem:s25+$0x2820];
	_ =	sdelay $0x7  }
0x33: {  	[tilespmem:v2+s19+$0x0] =	vst.idx.add.f32.msk $0xffff, v1  }
0x34: {  	v2 =	vld [tilespmem:s25+$0x2830];
	_ =	sdelay $0x7  }
0x35: {  	s30 =	sadd.s32 $0x80, s25;
	[tilespmem:v2+s19+$0x0] =	vst.idx.add.f32.msk $0xffff, v1  }
0x36: {  	[tilespmem:s16], [sflag:$0x1] =	stream.indirect.gather [hbm4b:s0+s15], $0x80, s30, s15, $0xb8;
	[tilespmem:$0x1F800] =	vst v63  }
0x37: {  	_ =	swait.ge [sflag:s20], $0x2000  }
0x38: {  	[sflag:s20] =	ssyncset.done $0x0  }
0x39: {  	s31 =	sadd.s32 $0x2840, s25;
	[sflag:s20] =	ssyncadd.s32 $0xFFFFE000  }
0x3a: {  	[spmem:s3] =	stream.indirect.scatter.add.f32 [tilespmem:s17], [sflag:$0x3], $0x80, s31, s15, $0xb8;
	[tilespmem:$0x1F800] =	vst v63  }
0x3b: {  	_ =	swait.ge [sflag:s13], $0x2000  }
0x3c: {  	[sflag:s13] =	ssyncset.done $0x0  }
0x3d: {  	[sflag:s13] =	ssyncadd.s32 $0xFFFFE000  }
0x3e: {  	v2 =	vld [tilespmem:s25+$0x2840];
	_ =	sdelay $0x7  }
0x3f: {  	[tilespmem:v2+s19+$0x0] =	vst.idx.add.f32.msk $0xffff, v1  }
0x40: {  	v2 =	vld [tilespmem:s25+$0x2850];
	_ =	sdelay $0x7  }
0x41: {  	[tilespmem:v2+s19+$0x0] =	vst.idx.add.f32.msk $0xffff, v1  }
0x42: {  	v2 =	vld [tilespmem:s25+$0x2860];
	_ =	sdelay $0x7  }
0x43: {  	[tilespmem:v2+s19+$0x0] =	vst.idx.add.f32.msk $0xffff, v1  }
0x44: {  	v2 =	vld [tilespmem:s25+$0x2870];
	_ =	sdelay $0x3  }
0x45: {  	p0 =	sne.s32 s24, $0x9C00  }
.Ltmp1:
0x46: {  	_ = 	snop;
	(pc) =	sbr.rel @p0 .LBB2_4-.Ltmp1, $3  }
0x47: {  	_ =	sdelay $0x1  }
0x48: {  	s24 =	sadd.s32 $0x200, s24;
	s25 =	sadd.s32 $0xC0, s25;
	[tilespmem:v2+s19+$0x0] =	vst.idx.add.f32.msk $0xffff, v1  }
0x49: {  	[tilespmem:s17], [sflag:$0x2] =	stream.indirect.gather [hbm4b:s0+s15], $0x80, s25, s15, $0xb8;
	[tilespmem:$0x1F800] =	vst v63  }
0x4a: {  	_ =	swait.ge [sflag:s18], $0x2000  }
0x4b: {  	[sflag:s18] =	ssyncset.done $0x0  }
0x4c: {  	[sflag:s18] =	ssyncadd.s32 $0xFFFFE000  }
0x4d: {  	[spmem:s3] =	stream.indirect.scatter.add.f32 [tilespmem:s16], [sflag:$0x3], $0x80, s21, s15, $0xb8;
	[tilespmem:$0x1F800] =	vst v63  }
0x4e: {  	_ =	swait.ge [sflag:s13], $0x2000  }
0x4f: {  	[sflag:s13] =	ssyncset.done $0x0  }
0x50: {  	[sflag:s13] =	ssyncadd.s32 $0xFFFFE000  }
0x51: {  	v2 =	vld [tilespmem:$0x4F80];
	_ =	sdelay $0x7  }
0x52: {  	[tilespmem:v2+s19+$0x0] =	vst.idx.add.f32.msk $0xffff, v1  }
0x53: {  	v2 =	vld [tilespmem:$0x4F90];
	_ =	sdelay $0x7  }
0x54: {  	[tilespmem:v2+s19+$0x0] =	vst.idx.add.f32.msk $0xffff, v1  }
0x55: {  	v2 =	vld [tilespmem:$0x4FA0];
	_ =	sdelay $0x7  }
0x56: {  	[tilespmem:v2+s19+$0x0] =	vst.idx.add.f32.msk $0xffff, v1  }
0x57: {  	v2 =	vld [tilespmem:$0x4FB0];
	_ =	sdelay $0x7  }
0x58: {  	[tilespmem:v2+s19+$0x0] =	vst.idx.add.f32.msk $0xffff, v1  }
0x59: {  	_ =	swait.ge [sflag:s20], $0x2000  }
0x5a: {  	[sflag:s20] =	ssyncset.done $0x0  }
0x5b: {  	[sflag:s20] =	ssyncadd.s32 $0xFFFFE000  }
0x5c: {  	[spmem:s3] =	stream.indirect.scatter.add.f32 [tilespmem:s17], [sflag:$0x3], $0x80, s22, s15, $0xb8;
	[tilespmem:$0x1F800] =	vst v63  }
0x5d: {  	_ =	swait.ge [sflag:s13], $0x2000  }
0x5e: {  	[sflag:s13] =	ssyncset.done $0x0  }
0x5f: {  	[sflag:s13] =	ssyncadd.s32 $0xFFFFE000  }
0x60: {  	v2 =	vld [tilespmem:$0x4FC0];
	_ =	sdelay $0x7  }
0x61: {  	[tilespmem:v2+s19+$0x0] =	vst.idx.add.f32.msk $0xffff, v1  }
0x62: {  	v2 =	vld [tilespmem:$0x4FD0];
	_ =	sdelay $0x7  }
0x63: {  	[tilespmem:v2+s19+$0x0] =	vst.idx.add.f32.msk $0xffff, v1  }
0x64: {  	v2 =	vld [tilespmem:$0x4FE0];
	_ =	sdelay $0x7  }
0x65: {  	[tilespmem:v2+s19+$0x0] =	vst.idx.add.f32.msk $0xffff, v1  }
0x66: {  	v2 =	vld [tilespmem:$0x4FF0];
	_ =	sdelay $0x7  }
0x67: {  	[tilespmem:v2+s19+$0x0] =	vst.idx.add.f32.msk $0xffff, v1  }
0x68: {  	[bflag:$0x0] =	sbarrier.arrive $0xFFFF  }
0x69: {  	[hbm:s9], [sflag:s6] =	dma.local [spmem:s12], $0x2800  }
0x6a: {  	s23 =	sadd.s32 $0x1, s23;
	_ =	swait.ge [sflag:s13], $0x2800  }
0x6b: {  	p0 =	sne.s32 s23, s11;
	[sflag:s13] =	ssyncset.done $0x0  }
.Ltmp2:
0x6c: {  	[sflag:s13] =	ssyncadd.s32 $0xFFFFD800;
	(pc) =	sbr.rel @p0 .LBB2_1-.Ltmp2, $4  }
0x6d: {  	[hbm4b:s10+s4] =	stream.linear.scatter [tilespmem:s19], [sflag:$0x3], $0x2800, $0x38;
	[tilespmem:$0x1F800] =	vst v63  }
0x6e: {  	_ =	swait.ge [sflag:s13], $0x2800  }
0x6f: {  	[sflag:s13] =	ssyncset.done $0x0  }
0x70: {  	[sflag:s13] =	ssyncadd.s32 $0xFFFFD800  }
0x71: {  	_ =	sfence.sel $0x180000  }
0x72: {  	[bflag:$0x0] =	sbarrier.arrive $0xFFFF  }
0x73: {  	p0 =	sne.s32 s2, $0x0;
	_ =	strace $0x90000047  }
0x74: {  	s0 =	sadd.s32 @!p0 $0x100000, s1;
	[bflag:$0x2] =	sbarrier.arrive $0xFFFF  }
0x75: {  	[sflag:s0] =	ssyncadd.tile.s32 @!p0 $0x1;
	_ =	shalt  }
.Lfunc_end2:
_tile_overlayer_lowered:
.L_overlay_start_2:
0x76: {  	(tag) =	ssettag $0x2  }
0x77: {  	s0 =	rddreg [dreg:$0x0];
	s2 =	stileid.u32  }
0x78: {  	s1 =	rddreg [dreg:$0x1];
	p0 =	sne.s32 s2, $0x0  }
0x79: {  	s3 =	rddreg [dreg:$0x2];
	[bflag:$0x3] =	sbarrier.arrive $0xFFFF;
	s2 =	simm.s32 @!p0 $0x1C03  }
0x7a: {  	[timem:s3], [sflag:s2] =	dma.local @!p0 [hbm:s0], s1  }
0x7b: {  	s0 =	simm.s32 @!p0 $0x3  }
0x7c: {  	_ =	swait.ge @!p0 [sflag:s0], s1  }
0x7d: {  	s1 =	ssub.s32 @!p0 $0x0, s1;
	[sflag:s0] =	ssyncset.done @!p0 $0x0  }
0x7e: {  	[sflag:s0] =	ssyncadd.s32 @!p0 s1  }
0x7f: {  	[bflag:$0x3] =	sbarrier.arrive $0xFFFF  }
0x80: {  	_ =	shalt  }

// kernel: kernel.9.cloned.1.call-start
scs
__scs_entry_jumppad:
0x0: {  	(pc) =	sbr.rel $0x88, $3  }
0x1: {  	(tag) =	ssettag $0x0;
	lr =	simm.s32 $0x1  }
0x2: {  	[smem:$0x3F99] =	sst lr;
	_ =	strace $0xD0000000  }
0x3: {  	_ = 	snop  }
0x4: {  	_ = 	snop  }
0x5: {  	_ = 	snop  }
0x6: {  	_ = 	snop  }
0x7: {  	_ = 	snop  }
__scs_overlays_trampoline_lowered:
0x8: {  	[smem:$0x3FA8] =	sst s0  }
0x9: {  	[smem:$0x3FA9] =	sst s1  }
0xa: {  	[smem:$0x3FAA] =	sst s2  }
0xb: {  	[smem:$0x3FAB] =	sst s3  }
0xc: {  	[smem:$0x3FAC] =	sst s4  }
0xd: {  	[smem:$0x3FAD] =	sst s5  }
0xe: {  	[smem:$0x3FAE] =	sst s6  }
0xf: {  	[smem:$0x3FAF] =	sst s7  }
0x10: {  	[smem:$0x3FB0] =	sst s8  }
0x11: {  	[smem:$0x3FB1] =	sst s9;
	s0 =	simm.s32 @!p0 $0x0  }
0x12: {  	s1 =	sld [smem:$0x3F97];
	s0 =	simm.s32 @p0 $0x1  }
0x13: {  	[smem:$0x3FB2] =	sst s0;
	s0 =	simm.s32 @!p1 $0x0  }
0x14: {  	s2 =	sld [smem:$0x3F96];
	s0 =	simm.s32 @p1 $0x1  }
0x15: {  	[smem:$0x3FB3] =	sst s0;
	s0 =	simm.s32 @!p2 $0x0  }
0x16: {  	s3 =	sld [smem:$0x3FDB];
	s0 =	simm.s32 @p2 $0x1  }
0x17: {  	s4 =	simm.s32 $0x1BF5;
	[smem:$0x3FB5] =	sst s0  }
0x18: {  	s0 =	sld [smem:$0x3F98];
	_ =	swait.ge [sflag:s4], $0x0  }
0x19: {  	s7 =	sld [smem:$0x3F99]  }
0x1a: {  	s8 =	sadd.s32 $0xFFFFE003, lr  }
0x1b: {  	s9 =	sadd.s32 $0xFFFFFEF7, lr;
	s5 =	simm.s32 $0xFFFFFFFF;
	p2 =	slt.u32 s8, $0xFFFFF086  }
0x1c: {  	p1 =	slt.u32 s9, $0xF7A;
	s5 =	simm.s32 @!p2 $0x0  }
0x1d: {  	s5 =	simm.s32 @p1 $0x1;
	p0 =	seq.s32 s7, s2  }
0x1e: {  	s7 =	smul.u32 @!p0 $0xF7A, s2;
	p2 =	seq.s32 @!p0 s5, $0x0  }
0x1f: {  	s9 =	smul.u32 $0xF7A, s1;
	s8 =	simm.s32 @!p0 $0x1BF5;
	p2 =	por !p2, p0  }
0x20: {  	[sflag:s8] =	ssyncset.s32 @!p0 $0xFFFFF086;
	s6 =	sadd.s32 @!p0 s3, s7;
	s7 =	simm.s32 @!p0 $0x108  }
0x21: {  	s3 =	sadd.s32 s3, s9;
	s6 =	sadd.s32 @!p0 $0x88, s6;
	s7 =	simm.s32 @p2 $0x1082  }
0x22: {  	[simem:s7], [sflag:s8] =	dma.local @!p0 [hbm:s6], $0xF7A  }
0x23: {  	s9 =	sor.u32 $0xD0000000, s2;
	s6 =	simm.s32 $0x108;
	_ =	swait.ge @!p0 [sflag:s8], $0x0  }
0x24: {  	s3 =	sadd.s32 $0x88, s3;
	s6 =	simm.s32 @!p1 $0x1082;
	[sflag:s4] =	ssyncset.s32 $0xFFFFF086  }
0x25: {  	[simem:s6], [sflag:s4] =	dma.local [hbm:s3], $0xF7A  }
0x26: {  	[smem:$0x3F99] =	sst s1;
	(tag) =	ssettag s2;
	_ =	strace s9  }
0x27: {  	s1 =	sld [smem:$0x3FA9]  }
0x28: {  	s2 =	sld [smem:$0x3FAA]  }
0x29: {  	s4 =	sld [smem:$0x3FAC]  }
0x2a: {  	p0 =	seq.s32 s5, $0x0;
	s5 =	sld [smem:$0x3FAD]  }
0x2b: {  	s6 =	sld [smem:$0x3FAE]  }
0x2c: {  	s7 =	sld [smem:$0x3FAF]  }
0x2d: {  	s3 =	simm.s32 $0x108;
	s8 =	sld [smem:$0x3FB0]  }
0x2e: {  	s3 =	simm.s32 @!p0 $0x1082;
	s9 =	sld [smem:$0x3FB1]  }
0x2f: {  	lr =	sadd.s32 s0, s3;
	s0 =	sld [smem:$0x3FA8]  }
0x30: {  	s3 =	sld [smem:$0x3FAB]  }
0x31: {  	[smem:$0x3FB4] =	sst s10  }
0x32: {  	s10 =	sld [smem:$0x3FB2];
	_ =	sdelay $0x3  }
0x33: {  	p0 =	seq.s32 s10, $0x1;
	s10 =	sld [smem:$0x3FB4];
	_ =	sdelay $0x3  }
0x34: {  	[smem:$0x3FB4] =	sst s10  }
0x35: {  	s10 =	sld [smem:$0x3FB3];
	_ =	sdelay $0x3  }
0x36: {  	p1 =	seq.s32 s10, $0x1;
	s10 =	sld [smem:$0x3FB4];
	_ =	sdelay $0x3  }
0x37: {  	[smem:$0x3FB4] =	sst s10  }
0x38: {  	s10 =	sld [smem:$0x3FB5]  }
0x39: {  	_ = 	snop;
	(pc) =	sbr.ind lr, $3  }
0x3a: {  	_ = 	snop  }
0x3b: {  	_ = 	snop  }
0x3c: {  	p2 =	seq.s32 s10, $0x1;
	s10 =	sld [smem:$0x3FB4]  }
0x3d: {  	_ =	shalt  }
0x3e: {  	_ =	shalt  }
0x3f: {  	_ =	shalt  }
0x40: {  	_ =	shalt  }
0x41: {  	_ =	shalt  }
0x42: {  	_ =	shalt  }
0x43: {  	_ =	shalt  }
0x44: {  	_ =	shalt  }
0x45: {  	_ =	shalt  }
0x46: {  	_ =	shalt  }
0x47: {  	_ =	shalt  }
0x48: {  	_ =	shalt  }
0x49: {  	_ =	shalt  }
0x4a: {  	_ =	shalt  }
0x4b: {  	_ =	shalt  }
0x4c: {  	_ =	shalt  }
0x4d: {  	_ =	shalt  }
0x4e: {  	_ =	shalt  }
0x4f: {  	_ =	shalt  }
0x50: {  	_ =	shalt  }
0x51: {  	_ =	shalt  }
0x52: {  	_ =	shalt  }
0x53: {  	_ =	shalt  }
0x54: {  	_ =	shalt  }
0x55: {  	_ =	shalt  }
0x56: {  	_ =	shalt  }
0x57: {  	_ =	shalt  }
0x58: {  	_ =	shalt  }
0x59: {  	_ =	shalt  }
0x5a: {  	_ =	shalt  }
0x5b: {  	_ =	shalt  }
0x5c: {  	_ =	shalt  }
0x5d: {  	_ =	shalt  }
0x5e: {  	_ =	shalt  }
0x5f: {  	_ =	shalt  }
0x60: {  	_ =	shalt  }
0x61: {  	_ =	shalt  }
0x62: {  	_ =	shalt  }
0x63: {  	_ =	shalt  }
0x64: {  	_ =	shalt  }
0x65: {  	_ =	shalt  }
0x66: {  	_ =	shalt  }
0x67: {  	_ =	shalt  }
0x68: {  	_ =	shalt  }
0x69: {  	_ =	shalt  }
0x6a: {  	_ =	shalt  }
0x6b: {  	_ =	shalt  }
0x6c: {  	_ =	shalt  }
0x6d: {  	_ =	shalt  }
0x6e: {  	_ =	shalt  }
0x6f: {  	_ =	shalt  }
0x70: {  	_ =	shalt  }
0x71: {  	_ =	shalt  }
0x72: {  	_ =	shalt  }
0x73: {  	_ =	shalt  }
0x74: {  	_ =	shalt  }
0x75: {  	_ =	shalt  }
0x76: {  	_ =	shalt  }
0x77: {  	_ =	shalt  }
0x78: {  	_ =	shalt  }
0x79: {  	_ =	shalt  }
0x7a: {  	_ =	shalt  }
0x7b: {  	_ =	shalt  }
0x7c: {  	_ =	shalt  }
0x7d: {  	_ =	shalt  }
0x7e: {  	_ =	shalt  }
0x7f: {  	_ =	shalt  }
0x80: {  	_ =	shalt  }
0x81: {  	_ =	shalt  }
0x82: {  	_ =	shalt  }
0x83: {  	_ =	shalt  }
0x84: {  	_ =	shalt  }
0x85: {  	_ =	shalt  }
0x86: {  	_ =	shalt  }
0x87: {  	_ =	shalt  }
.Lfunc_end0:
.L_simem_size_0:
called_computation.1_lowered:
.L_overlay_start_0:
0x88: {  	s2 =	sld [smem:$0x3FD9]  }
0x89: {  	s3 =	sld [smem:$0x3FFE];
	_ =	sdelay $0x1  }
0x8a: {  	s1 =	srdreg.scid  }
0x8b: {  	s0 =	sand.u32 $0x1, s1  }
0x8c: {  	s17 =	sshll.u32 s0, $0xA;
	s2 =	sadd.s32 s3, s2  }
0x8d: {  	s2 =	sadd.s32 s2, s17  }
0x8e: {  	[smem:$0x3FC0] =	sst s2  }
0x8f: {  	_ = 	snop  }
0x90: {  	s2 =	sld [smem:$0x3FD0];
	(tm) =	ssettm $0x1  }
0x91: {  	s18 =	sld [smem:$0x3FFB];
	_ =	sdelay $0x3  }
0x92: {  	_ =	strace s18  }
0x93: {  	s3 =	sld [smem:$0x3FFC];
	_ =	sdelay $0x3  }
0x94: {  	_ =	strace s3  }
0x95: {  	s3 =	sld [smem:$0x3FFD];
	_ =	sdelay $0x3  }
0x96: {  	_ =	strace s3  }
0x97: {  	_ =	strace $0x8FFFFFFF  }
0x98: {  	s19 =	sld [smem:$0x3FDB];
	_ =	sdelay $0x1  }
0x99: {  	s4 =	simm.s32 $_scs_section_size  }
0x9a: {  	s5 =	simm.s32 $_size__tile_overlayer_lowered;
	s6 =	simm.s32 $_tile_overlayer_lowered  }
0x9b: {  	s22 =	simm.s32 $0x1BFF;
	s21 =	sshll.u32 s6, $0x1;
	s3 =	sadd.s32 s4, s19  }
0x9c: {  	s7 =	simm.s32 $0x0;
	s20 =	sshll.u32 s5, $0x1;
	s5 =	sadd.s32 s21, s3  }
0x9d: {  	[timem:s7], [sflag:s22] =	dma.local [hbm:s5], s20  }
0x9e: {  	_ =	swait.ge [sflag:s22], s20  }
0x9f: {  	s4 =	ssub.s32 $0x0, s20;
	[sflag:s22] =	ssyncset.done $0x0  }
0xa0: {  	[sflag:s22] =	ssyncadd.s32 s4;
	_ =	sdelay $0x1  }
0xa1: {  	s23 =	simm.s32 $0x1B8B  }
0xa2: {  	_ =	swait.ge [sflag:s23], $0x1  }
0xa3: {  	[sflag:s23] =	ssyncset.done $0x0  }
0xa4: {  	s25 =	simm.s32 $0x1B8E;
	s24 =	sld [smem:$0x3FFE];
	[sflag:s23] =	ssyncadd.s32 $0xFFFFFFFF  }
0xa5: {  	s26 =	simm.s32 $execute0_lowered;
	[smem:$0x3FD2] =	sst s25  }
0xa6: {  	s5 =	sshll.u32 s26, $0x1;
	_ =	strace $0x80000049;
	[dreg:$0x1] =	wrdreg $0xFFFFFFFF  }
0xa7: {  	s28 =	simm.s32 $_size_execute0_lowered;
	s3 =	sadd.s32 s3, s5;
	[dreg:$0x0] =	wrdreg $0x0  }
0xa8: {  	s5 =	sshll.u32 s28, $0x1;
	[dreg:$0x2] =	wrdreg s3  }
0xa9: {  	[dreg:$0x3] =	wrdreg s5  }
0xaa: {  	[dreg:$0x4] =	wrdreg $0xC0  }
0xab: {  	_ =	task [dreg:s7], $0x5FFFF  }
0xac: {  	[dreg:$0x1] =	wrdreg $0xFFFFFFFF  }
0xad: {  	[dreg:$0x0] =	wrdreg $0x60  }
0xae: {  	[dreg:$0x2] =	wrdreg s2  }
0xaf: {  	[dreg:$0x3] =	wrdreg s24  }
0xb0: {  	[dreg:$0x4] =	wrdreg $0x70000  }
0xb1: {  	[dreg:$0x5] =	wrdreg $0x9  }
0xb2: {  	_ =	task.clear_ibuf [dreg:s7], $0x6FFFF;
	_ =	strace $0x90000049  }
0xb3: {  	s29 =	simm.s32 $0x9;
	_ =	strace $0x8000004B  }
0xb4: {  	_ =	swait.ge [sflag:s29], $0x1  }
0xb5: {  	[sflag:s29] =	ssyncadd.s32 $0xFFFFFFFF  }
0xb6: {  	_ =	strace $0x9000004B  }
0xb7: {  	_ =	sfence  }
0xb8: {  	s30 =	sld [smem:$0x0];
	_ =	sdelay $0x2  }
0xb9: {  	s31 =	sshll.u32 s1, $0xD;
	s1 =	sshrl.u32 s1, $0x2  }
0xba: {  	s3 =	sand.u32 $0x4000, s31;
	s1 =	sadd.s32 s1, s30  }
0xbb: {  	s0 =	sor.u32 s3, s0;
	s1 =	sshll.u32 s1, $0x11  }
0xbc: {  	s0 =	sor.u32 s1, s0  }
0xbd: {  	s0 =	sadd.s32 $0x8F2B, s0  }
0xbe: {  	[sflag:s0] =	ssyncadd.remote.s32 $0x1  }
0xbf: {  	_ =	sfence.sel $0xFFFF  }
0xc0: {  	[dreg:$0x0] =	wrdreg $0xFFFFFFFF;
	(pc) =	sbr.abs _section_cstart, $3  }
0xc1: {  	[dreg:$0x1] =	wrdreg $0xFFFFFFFF  }
0xc2: {  	_ =	task.clear_ibuf [dreg:s7], $0x2FFFF;
	_ =	strace $0x9FFFFFFF  }
0xc3: {  	(tm) =	ssettm $0x7FFFFFFF  }
tec
execute0_lowered:
.L_overlay_start_1:
0x0: {  	(tag) =	ssettag $0x1  }
0x1: {  	s2 =	rddreg [dreg:$0x0]  }
0x2: {  	s7 =	rddreg [dreg:$0x1]  }
0x3: {  	s0 =	srdreg.scid;
	s3 =	rddreg [dreg:$0x2];
	s4 =	simm.s32 $0x0  }
0x4: {  	s14 =	simm.s32 $0x40;
	s15 =	simm.s32 $0x5000;
	s16 =	simm.s32 $0x6000  }
0x5: {  	s17 =	simm.s32 $0x1;
	s18 =	simm.s32 $0x2;
	s19 =	simm.s32 $0x4F80  }
0x6: {  	s20 =	simm.s32 $0x4FC0;
	s6 =	sand.u32 $0x1, s0;
	s0 =	stileid.u32  }
0x7: {  	s21 =	simm.s32 $0x0;
	[smem:$0x7FF] =	sst s4;
	s8 =	smul.u32 $0xA000, s0  }
0x8: {  	s1 =	sshll.u32 s6, $0x4;
	s9 =	smul.u32 $0xA0000, s6;
	s6 =	ssub.s32 $0x2, s6  }
0x9: {  	s11 =	sshll.u32 s0, $0x6;
	s1 =	sor.u32 s0, s1;
	s31 =	sshrl.u32 s6, $0x1  }
0xa: {  	s5 =	smul.u32 $0x500, s1;
	s1 =	rddreg [dreg:$0x3];
	_ =	strace $0x8000004A  }
0xb: {  	s9 =	sadd.s32 s8, s9;
	s12 =	ssub.s32 s6, s31;
	s13 =	sadd.s32 s8, s3  }
0xc: {  	s6 =	sor.u32 $0x1C03, s11;
	s9 =	sshrl.u32 s9, $0x3;
	s11 =	sshrl.u32 s13, $0x3  }
0xd: {  	s13 =	simm.s32 $0x2800;
	s10 =	sadd.s32 s5, s7;
	s5 =	sadd.s32 $0x15A00, s7  }
0xe: {  	s9 =	sadd.s32 s9, s7;
	s7 =	sadd.s32 $0xBA00, s10;
	s8 =	sadd.s32 $0x1A00, s10  }
0xf: {  	s9 =	sadd.s32 $0x16E00, s9;
	s10 =	smax.u32 s12, $0x1;
	s12 =	simm.s32 $0x3  }
.LBB2_1:
0x10: {  	[spmem:s11], [sflag:s6] =	dma.local [hbm:s5], $0x1400  }
0x11: {  	_ =	swait.ge [sflag:s12], $0x1400  }
0x12: {  	[sflag:s12] =	ssyncset.done $0x0  }
0x13: {  	[sflag:s12] =	ssyncadd.s32 $0xFFFFEC00  }
0x14: {  	[tilespmem:s4], [sflag:$0x3] =	stream.linear.gather [hbm4b:s7+s4], $0x2800, $0x38;
	[tilespmem:$0x11000] =	vst v63  }
0x15: {  	_ =	swait.ge [sflag:s12], $0x2800  }
0x16: {  	[sflag:s12] =	ssyncset.done $0x0  }
0x17: {  	[sflag:s12] =	ssyncadd.s32 $0xFFFFD800  }
0x18: {  	[tilespmem:s13], [sflag:$0x3] =	stream.linear.gather [hbm4b:s8+s4], $0x2800, $0x38;
	[tilespmem:$0x11000] =	vst v63  }
0x19: {  	_ =	swait.ge [sflag:s12], $0x2800  }
0x1a: {  	[sflag:s12] =	ssyncset.done $0x0  }
0x1b: {  	[sflag:s12] =	ssyncadd.s32 $0xFFFFD800  }
0x1c: {  	[bflag:$0x0] =	sbarrier.arrive $0xFFFF  }
0x1d: {  	[tilespmem:s15], [sflag:$0x1] =	stream.indirect.gather [hbm4b:s2+s14], $0x40, s4, s14, $0xb8;
	[tilespmem:$0x11000] =	vst v63  }
0x1e: {  	_ = 	snop  }
0x1f: {  	[tilespmem:s16], [sflag:$0x2] =	stream.indirect.gather [hbm4b:s2+s14], $0x40, s14, s14, $0xb8;
	[tilespmem:$0x11000] =	vst v63  }
0x20: {  	_ =	swait.ge [sflag:s17], $0x1000  }
0x21: {  	[sflag:s17] =	ssyncset.done $0x0  }
0x22: {  	s22 =	simm.s32 $0x2800;
	[sflag:s17] =	ssyncadd.s32 $0xFFFFF000  }
0x23: {  	[spmem:s3] =	stream.indirect.scatter.add.f32 [tilespmem:s15], [sflag:$0x3], $0x40, s22, s14, $0xb8;
	[tilespmem:$0x11000] =	vst v63  }
0x24: {  	_ =	swait.ge [sflag:s12], $0x1000  }
0x25: {  	[sflag:s12] =	ssyncset.done $0x0  }
0x26: {  	s30 =	simm.s32 $0x80;
	[sflag:s12] =	ssyncadd.s32 $0xFFFFF000  }
0x27: {  	[tilespmem:s15], [sflag:$0x1] =	stream.indirect.gather [hbm4b:s2+s14], $0x40, s30, s14, $0xb8;
	[tilespmem:$0x11000] =	vst v63  }
0x28: {  	_ =	swait.ge [sflag:s18], $0x1000  }
0x29: {  	[sflag:s18] =	ssyncset.done $0x0  }
0x2a: {  	s31 =	simm.s32 $0x2840;
	[sflag:s18] =	ssyncadd.s32 $0xFFFFF000  }
0x2b: {  	[spmem:s3] =	stream.indirect.scatter.add.f32 [tilespmem:s16], [sflag:$0x3], $0x40, s31, s14, $0xb8;
	[tilespmem:$0x11000] =	vst v63  }
0x2c: {  	_ =	swait.ge [sflag:s12], $0x1000  }
0x2d: {  	[sflag:s12] =	ssyncset.done $0x0  }
0x2e: {  	s23 =	simm.s32 $0xC0;
	s22 =	simm.s32 $0x200;
	[sflag:s12] =	ssyncadd.s32 $0xFFFFF000  }
.LBB2_2:
0x2f: {  	[tilespmem:s16], [sflag:$0x2] =	stream.indirect.gather [hbm4b:s2+s14], $0x40, s23, s14, $0xb8;
	[tilespmem:$0x11000] =	vst v63  }
0x30: {  	s23 =	smov.u32 s22  }
0x31: {  	p0 =	sne.s32 s22, $0x9C00;
	s22 =	sadd.s32 $0x200, s22;
	_ =	swait.ge [sflag:s17], $0x1000  }
0x32: {  	s23 =	sshra.s32 s23, $0x2;
	[sflag:s17] =	ssyncset.done $0x0  }
0x33: {  	s24 =	sadd.s32 $0x2800, s23;
	[sflag:s17] =	ssyncadd.s32 $0xFFFFF000  }
0x34: {  	[spmem:s3] =	stream.indirect.scatter.add.f32 [tilespmem:s15], [sflag:$0x3], $0x40, s24, s14, $0xb8;
	[tilespmem:$0x11000] =	vst v63  }
0x35: {  	_ =	swait.ge [sflag:s12], $0x1000  }
0x36: {  	[sflag:s12] =	ssyncset.done $0x0  }
0x37: {  	s24 =	sadd.s32 $0x80, s23;
	[sflag:s12] =	ssyncadd.s32 $0xFFFFF000  }
0x38: {  	[tilespmem:s15], [sflag:$0x1] =	stream.indirect.gather [hbm4b:s2+s14], $0x40, s24, s14, $0xb8;
	[tilespmem:$0x11000] =	vst v63  }
0x39: {  	_ =	swait.ge [sflag:s18], $0x1000  }
0x3a: {  	[sflag:s18] =	ssyncset.done $0x0  }
.Ltmp0:
0x3b: {  	s24 =	sadd.s32 $0x2840, s23;
	[sflag:s18] =	ssyncadd.s32 $0xFFFFF000;
	(pc) =	sbr.rel @p0 .LBB2_2-.Ltmp0, $4  }
0x3c: {  	[spmem:s3] =	stream.indirect.scatter.add.f32 [tilespmem:s16], [sflag:$0x3], $0x40, s24, s14, $0xb8;
	[tilespmem:$0x11000] =	vst v63  }
0x3d: {  	_ =	swait.ge [sflag:s12], $0x1000  }
0x3e: {  	[sflag:s12] =	ssyncset.done $0x0  }
0x3f: {  	s23 =	sadd.s32 $0xC0, s23;
	[sflag:s12] =	ssyncadd.s32 $0xFFFFF000  }
0x40: {  	[tilespmem:s16], [sflag:$0x2] =	stream.indirect.gather [hbm4b:s2+s14], $0x40, s23, s14, $0xb8;
	[tilespmem:$0x11000] =	vst v63  }
0x41: {  	_ =	swait.ge [sflag:s17], $0x1000  }
0x42: {  	[sflag:s17] =	ssyncset.done $0x0  }
0x43: {  	[sflag:s17] =	ssyncadd.s32 $0xFFFFF000  }
0x44: {  	[spmem:s3] =	stream.indirect.scatter.add.f32 [tilespmem:s15], [sflag:$0x3], $0x40, s19, s14, $0xb8;
	[tilespmem:$0x11000] =	vst v63  }
0x45: {  	_ =	swait.ge [sflag:s12], $0x1000  }
0x46: {  	[sflag:s12] =	ssyncset.done $0x0  }
0x47: {  	[sflag:s12] =	ssyncadd.s32 $0xFFFFF000  }
0x48: {  	_ =	swait.ge [sflag:s18], $0x1000  }
0x49: {  	[sflag:s18] =	ssyncset.done $0x0  }
0x4a: {  	[sflag:s18] =	ssyncadd.s32 $0xFFFFF000  }
0x4b: {  	[spmem:s3] =	stream.indirect.scatter.add.f32 [tilespmem:s16], [sflag:$0x3], $0x40, s20, s14, $0xb8;
	[tilespmem:$0x11000] =	vst v63  }
0x4c: {  	_ =	swait.ge [sflag:s12], $0x1000  }
0x4d: {  	s21 =	sadd.s32 $0x1, s21;
	[sflag:s12] =	ssyncset.done $0x0  }
0x4e: {  	p0 =	sne.s32 s21, s10;
	[sflag:s12] =	ssyncadd.s32 $0xFFFFF000  }
.Ltmp1:
0x4f: {  	[bflag:$0x0] =	sbarrier.arrive $0xFFFF;
	(pc) =	sbr.rel @p0 .LBB2_1-.Ltmp1, $4  }
0x50: {  	[hbm:s9], [sflag:s6] =	dma.local [spmem:s11], $0x1400  }
0x51: {  	_ =	swait.ge [sflag:s12], $0x1400  }
0x52: {  	[sflag:s12] =	ssyncset.done $0x0  }
0x53: {  	[sflag:s12] =	ssyncadd.s32 $0xFFFFEC00  }
0x54: {  	_ =	sfence.sel $0x180000  }
0x55: {  	[bflag:$0x0] =	sbarrier.arrive $0xFFFF  }
0x56: {  	p0 =	sne.s32 s0, $0x0;
	_ =	strace $0x9000004A  }
0x57: {  	s0 =	sadd.s32 @!p0 $0x100000, s1;
	[bflag:$0x2] =	sbarrier.arrive $0xFFFF  }
0x58: {  	[sflag:s0] =	ssyncadd.tile.s32 @!p0 $0x1;
	_ =	shalt  }
.Lfunc_end2:
_tile_overlayer_lowered:
.L_overlay_start_2:
0x59: {  	(tag) =	ssettag $0x2  }
0x5a: {  	s0 =	rddreg [dreg:$0x0];
	s2 =	stileid.u32  }
0x5b: {  	s1 =	rddreg [dreg:$0x1];
	p0 =	sne.s32 s2, $0x0  }
0x5c: {  	s3 =	rddreg [dreg:$0x2];
	[bflag:$0x3] =	sbarrier.arrive $0xFFFF;
	s2 =	simm.s32 @!p0 $0x1C03  }
0x5d: {  	[timem:s3], [sflag:s2] =	dma.local @!p0 [hbm:s0], s1  }
0x5e: {  	s0 =	simm.s32 @!p0 $0x3  }
0x5f: {  	_ =	swait.ge @!p0 [sflag:s0], s1  }
0x60: {  	s1 =	ssub.s32 @!p0 $0x0, s1;
	[sflag:s0] =	ssyncset.done @!p0 $0x0  }
0x61: {  	[sflag:s0] =	ssyncadd.s32 @!p0 s1  }
0x62: {  	[bflag:$0x3] =	sbarrier.arrive $0xFFFF  }
0x63: {  	_ =	shalt  }

</sc_bundles>
